<compile_context>
chip_gen: v7x
topology: tpu7x:2x2x1
jax: 0.10.2.dev20260603
libtpu: 0.0.44.dev20260713+nightly
codegen_flags: <defaults>
</compile_context>

<pallas_src>
import functools

import jax
import jax.numpy as jnp
import numpy as np
from jax import lax
from jax.experimental import pallas as pl
from jax.experimental.pallas import tpu as pltpu
from jax.experimental.pallas import tpu_sc as plsc

NUM_TOKENS = 16384
INPUT_DIM = 2048
NUM_EXPERTS = 64
BLOCK_T = 1024
N_PANELS = NUM_TOKENS // BLOCK_T

NUM_CORES = 2
NUM_SUBCORES = 16
NUM_WORKERS = NUM_CORES * NUM_SUBCORES
ROWS_PER_W = NUM_TOKENS // NUM_WORKERS
GROUPS_PER_W = ROWS_PER_W // 16
_CHUNK = ROWS_PER_W * NUM_EXPERTS

_KS0 = np.uint32(0)
_KS1 = np.uint32(1)
_KS2 = np.uint32(0 ^ 1 ^ 0x1BD11BDA)
_ROT_A = (13, 15, 26, 6)
_ROT_B = (17, 29, 16, 24)


def _rotl(x, r):
    return (x << np.uint32(r)) | (x >> np.uint32(32 - r))


def _rounds(x0, x1, rots):
    for r in rots:
        x0 = x0 + x1
        x1 = _rotl(x1, r)
        x1 = x0 ^ x1
    return x0, x1


def _noise_from_counter(c_lo):
    x0 = jnp.zeros(c_lo.shape, jnp.uint32) + _KS0
    x1 = c_lo + _KS1
    x0, x1 = _rounds(x0, x1, _ROT_A)
    x0 = x0 + _KS1
    x1 = x1 + _KS2 + np.uint32(1)
    x0, x1 = _rounds(x0, x1, _ROT_B)
    x0 = x0 + _KS2
    x1 = x1 + _KS0 + np.uint32(2)
    x0, x1 = _rounds(x0, x1, _ROT_A)
    x0 = x0 + _KS0
    x1 = x1 + _KS1 + np.uint32(3)
    x0, x1 = _rounds(x0, x1, _ROT_B)
    x0 = x0 + _KS1
    x1 = x1 + _KS2 + np.uint32(4)
    x0, x1 = _rounds(x0, x1, _ROT_A)
    x0 = x0 + _KS2
    x1 = x1 + _KS0 + np.uint32(5)
    bits = x0 ^ x1
    fb = (bits >> np.uint32(9)) | np.uint32(0x3F800000)
    f = lax.bitcast_convert_type(fb, jnp.float32) - np.float32(1.0)
    lo = np.nextafter(np.float32(-1.0), np.float32(0.0), dtype=np.float32)
    hi = np.float32(1.0)
    u = lax.max(jnp.float32(lo), f * (hi - lo) + lo)
    return np.float32(np.sqrt(2.0)) * lax.erf_inv(u)


def _logits_body(x_ref, w_ref, b_ref, o_ref):
    logits_t = lax.dot_general(
        w_ref[...], x_ref[...],
        dimension_numbers=(((1,), (1,)), ((), ())),
        preferred_element_type=jnp.float32,
    )
    i = pl.program_id(0)
    c_lo = (jnp.uint32(i * (BLOCK_T * NUM_EXPERTS))
            + lax.broadcasted_iota(jnp.uint32, logits_t.shape, 1)
            * np.uint32(NUM_EXPERTS)
            + lax.broadcasted_iota(jnp.uint32, logits_t.shape, 0))
    noisy_t = logits_t + b_ref[...] + _noise_from_counter(c_lo)
    o_ref[...] = noisy_t.reshape(1, NUM_EXPERTS, BLOCK_T)


def _noisy_logits_panels(x, W, b):
    n_tokens = x.shape[0]
    grid = (n_tokens // BLOCK_T,)
    return pl.pallas_call(
        _logits_body,
        grid=grid,
        in_specs=[
            pl.BlockSpec((BLOCK_T, INPUT_DIM), lambda i: (i, 0)),
            pl.BlockSpec((NUM_EXPERTS, INPUT_DIM), lambda i: (0, 0)),
            pl.BlockSpec((NUM_EXPERTS, 1), lambda i: (0, 0)),
        ],
        out_specs=pl.BlockSpec((1, NUM_EXPERTS, BLOCK_T), lambda i: (i, 0, 0)),
        out_shape=jax.ShapeDtypeStruct((N_PANELS, NUM_EXPERTS, BLOCK_T),
                                       jnp.float32),
    )(x, W, b.reshape(NUM_EXPERTS, 1))


_SC_MESH = plsc.VectorSubcoreMesh(
    core_axis_name="c", subcore_axis_name="s",
    num_cores=NUM_CORES, num_subcores=NUM_SUBCORES)

_N_STREAMS = 4
_E_PER_STREAM = NUM_EXPERTS // _N_STREAMS
_W_PER_PANEL = BLOCK_T // ROWS_PER_W


def _merge_top2(a, b):
    ma1, ia1, ma2, ia2 = a
    mb1, ib1, mb2, ib2 = b
    c = mb1 > ma1
    ca = mb1 > ma2
    m2a = jnp.where(ca, mb1, ma2)
    i2a = jnp.where(ca, ib1, ia2)
    cb = mb2 > ma1
    m2b = jnp.where(cb, mb2, ma1)
    i2b = jnp.where(cb, ib2, ia1)
    m1 = jnp.where(c, mb1, ma1)
    i1 = jnp.where(c, ib1, ia1)
    m2 = jnp.where(c, m2b, m2a)
    i2 = jnp.where(c, i2b, i2a)
    return m1, i1, m2, i2


@functools.partial(
    pl.kernel,
    out_type=jax.ShapeDtypeStruct((NUM_TOKENS * NUM_EXPERTS,), jnp.float32),
    mesh=_SC_MESH,
    scratch_types=[
        pltpu.VMEM((NUM_EXPERTS, ROWS_PER_W), jnp.float32),
        pltpu.VMEM((_CHUNK,), jnp.float32),
    ],
    compiler_params=pltpu.CompilerParams(needs_layout_passes=False),
)
def _sc_route(logits_p_hbm, out_hbm, lbuf, obuf):
    wid = lax.axis_index("s") * NUM_CORES + lax.axis_index("c")
    panel = wid // _W_PER_PANEL
    off = (wid % _W_PER_PANEL) * ROWS_PER_W
    pltpu.sync_copy(logits_p_hbm.at[panel, :, pl.ds(off, ROWS_PER_W)], lbuf)

    lanes = lax.iota(jnp.int32, 16)
    neg_inf = jnp.full((16,), -jnp.inf, jnp.float32)
    zeros = jnp.zeros((16,), jnp.float32)
    zero_i = jnp.zeros((16,), jnp.int32)

    def group_body(j, _):
        r0 = j * 16
        gbase = r0 * NUM_EXPERTS
        for k in range(NUM_EXPERTS):
            obuf[pl.ds(gbase + k * 16, 16)] = zeros

        states = []
        for q in range(_N_STREAMS):
            m1, i1, m2, i2 = neg_inf, zero_i, neg_inf, zero_i
            for t in range(_E_PER_STREAM):
                e = q * _E_PER_STREAM + t
                v = lbuf[e, pl.ds(r0, 16)]
                ei = jnp.full((16,), e, jnp.int32)
                gt1 = v > m1
                gt2 = v > m2
                m2 = jnp.where(gt2, v, m2)
                i2 = jnp.where(gt2, ei, i2)
                m2 = jnp.where(gt1, m1, m2)
                i2 = jnp.where(gt1, i1, i2)
                m1 = jnp.where(gt1, v, m1)
                i1 = jnp.where(gt1, ei, i1)
            states.append((m1, i1, m2, i2))
        s01 = _merge_top2(states[0], states[1])
        s23 = _merge_top2(states[2], states[3])
        m1, i1, m2, i2 = _merge_top2(s01, s23)

        t = jnp.exp(m2 - m1)
        p1 = 1.0 / (1.0 + t)
        p2 = t * p1
        rbase = (r0 + lanes) * NUM_EXPERTS
        plsc.store_scatter(obuf, [rbase + i1], p1)
        plsc.store_scatter(obuf, [rbase + i2], p2)
        return 0

    lax.fori_loop(0, GROUPS_PER_W, group_body, 0)
    pltpu.sync_copy(obuf, out_hbm.at[pl.ds(wid * _CHUNK, _CHUNK)])


@jax.jit
def kernel(x, W, b):
    n_tokens = x.shape[0]
    noisy_p = _noisy_logits_panels(x, W, b)
    flat = _sc_route(noisy_p)
    return flat.reshape(n_tokens, NUM_EXPERTS)

# --- scband reference (transcript-rebuilt; emitter-appended) ---
"""Pipeline reference for scband-noisy-top-kgating-85847806312744 (READ-ONLY COPY).

The authoritative reference and input builder live on the scoring server;
editing this copy changes nothing except your own understanding.
"""

import jax, jax.numpy as jnp
import numpy as np

INPUT_DIM = 2048
NUM_EXPERTS = 64
K = 2
NOISE_STD = 1.0


def setup_inputs(seed: int = 0) -> dict:
    key = jax.random.key(seed)
    kx, kw, kb = jax.random.split(key, 3)
    x = jax.random.normal(kx, (16384, INPUT_DIM), dtype=jnp.float32)
    # nn.Linear(input_dim, num_experts): weight [num_experts, input_dim], bias [num_experts]
    bound = 1.0 / np.sqrt(INPUT_DIM)
    W = jax.random.uniform(kw, (NUM_EXPERTS, INPUT_DIM), dtype=jnp.float32, minval=-bound, maxval=bound)
    b = jax.random.uniform(kb, (NUM_EXPERTS,), dtype=jnp.float32, minval=-bound, maxval=bound)
    return {"x": x, "W": W, "b": b}


def reference(x, W, b):
    clean_logits = x @ W.T + b
    # deterministic stand-in for torch.randn_like noise
    noise = jax.random.normal(jax.random.key(1), clean_logits.shape, dtype=clean_logits.dtype) * NOISE_STD
    noisy_logits = clean_logits + noise
    topk_vals, topk_idx = jax.lax.top_k(noisy_logits, K)
    n = clean_logits.shape[0]
    rows = jnp.arange(n)[:, None]
    mask = jnp.zeros_like(clean_logits).at[rows, topk_idx].set(1.0)  # computed (unused) as in original
    topk_softmax = jax.nn.softmax(topk_vals, axis=-1)
    gate_weights = jnp.zeros_like(clean_logits).at[rows, topk_idx].set(topk_softmax)
    return gate_weights

if __name__ == "__main__":
    import jax
    _d = setup_inputs()
    print(jax.jit(kernel)(*tuple(_d.values())))

</pallas_src>

<mosaic_0001>
#map = affine_map<(d0, d1) -> (0, 0, 0)>
#map1 = affine_map<(d0, d1) -> (0)>
module attributes {stable_mosaic.version = 14 : i64} {
  func.func @_sc_route(%arg0: i32, %arg1: i32, %arg2: memref<16x64x1024xf32, #tpu.memory_space<hbm>>, %arg3: memref<1048576xf32, #tpu.memory_space<hbm>>, %arg4: memref<64x512xf32, #tpu.memory_space<vmem>>, %arg5: memref<32768xf32, #tpu.memory_space<vmem>>) attributes {dimension_semantics = [#tpu.dimension_semantics<core_parallel>, #tpu.dimension_semantics<subcore_parallel>], iteration_bounds = array<i64: 2, 16>, scalar_prefetch = 0 : i64, scratch_operands = 2 : i64, tpu.core_type = #tpu.core_type<sc_vector_subcore>, window_params = [{transform_indices = #map}, {transform_indices = #map1}]} {
    %mul3A = arith.constant 2 : i32
    %mul3A_0 = arith.muli %arg1, %mul3A : i32
    %add3A = arith.addi %mul3A_0, %arg0 : i32
    %jit3A = arith.constant 2 : i32
    %div3A = arith.divsi %add3A, %jit3A : i32
    %sign3A = arith.constant 0 : i32
    %sign3A_1 = arith.cmpi sgt, %add3A, %sign3A : i32
    %sign3A_2 = arith.extui %sign3A_1 : i1 to i32
    %sign3A_3 = arith.constant 0 : i32
    %sign3A_4 = arith.cmpi slt, %add3A, %sign3A_3 : i32
    %sign3A_5 = arith.extui %sign3A_4 : i1 to i32
    %sign3A_6 = arith.subi %sign3A_2, %sign3A_5 : i32
    %sign3A_7 = arith.constant 0 : i32
    %sign3A_8 = arith.cmpi sgt, %jit3A, %sign3A_7 : i32
    %sign3A_9 = arith.extui %sign3A_8 : i1 to i32
    %sign3A_10 = arith.constant 0 : i32
    %sign3A_11 = arith.cmpi slt, %jit3A, %sign3A_10 : i32
    %sign3A_12 = arith.extui %sign3A_11 : i1 to i32
    %sign3A_13 = arith.subi %sign3A_9, %sign3A_12 : i32
    %ne3A = arith.cmpi ne, %sign3A_6, %sign3A_13 : i32
    %rem3A = arith.remsi %add3A, %jit3A : i32
    %ne3A_14 = arith.constant 0 : i32
    %ne3A_15 = arith.cmpi ne, %rem3A, %ne3A_14 : i32
    %and3A = arith.andi %ne3A, %ne3A_15 : i1
    %sub3A = arith.constant 1 : i32
    %sub3A_16 = arith.subi %div3A, %sub3A : i32
    %select_n3A = arith.select %and3A, %sub3A_16, %div3A : i32
    %jit3A_17 = arith.constant 2 : i32
    %eq3A = arith.constant 0 : i32
    %eq3A_18 = arith.cmpi eq, %jit3A_17, %eq3A : i32
    %jit3A_19 = arith.constant 1 : i32
    %select_n3A_20 = arith.select %eq3A_18, %jit3A_19, %jit3A_17 : i32
    %rem3A_21 = arith.remsi %add3A, %select_n3A_20 : i32
    %ne3A_22 = arith.constant 0 : i32
    %ne3A_23 = arith.cmpi ne, %rem3A_21, %ne3A_22 : i32
    %lt3A = arith.constant 0 : i32
    %lt3A_24 = arith.cmpi slt, %rem3A_21, %lt3A : i32
    %lt3A_25 = arith.constant 0 : i32
    %lt3A_26 = arith.cmpi slt, %select_n3A_20, %lt3A_25 : i32
    %ne3A_27 = arith.xori %lt3A_24, %lt3A_26 : i1
    %and3A_28 = arith.andi %ne3A_27, %ne3A_23 : i1
    %add3A_29 = arith.addi %rem3A_21, %select_n3A_20 : i32
    %select_n3A_30 = arith.select %and3A_28, %add3A_29, %rem3A_21 : i32
    %mul3A_31 = arith.constant 512 : i32
    %mul3A_32 = arith.muli %select_n3A_30, %mul3A_31 : i32
    "tpu.region"() ({
      %run_scoped3A = tpu.sem_alloc : memref<!tpu.dma_semaphore, #tpu.memory_space<semaphore_mem>>
      %dma_start3A = arith.constant 0 : i32
      %dma_start3A_46 = tpu.memref_slice %arg2[%select_n3A, %dma_start3A, %mul3A_32] : memref<16x64x1024xf32, #tpu.memory_space<hbm>> -> memref<1x64x512xf32, #tpu.memory_space<hbm>>
      %dma_start3A_47 = tpu.memref_squeeze %dma_start3A_46 : memref<1x64x512xf32, #tpu.memory_space<hbm>> -> memref<64x512xf32, #tpu.memory_space<hbm>>
      %dma_start3A_48 = arith.constant 0 : i32
      %dma_start3A_49 = tpu.memref_slice %arg2[%select_n3A, %dma_start3A_48, %mul3A_32] : memref<16x64x1024xf32, #tpu.memory_space<hbm>> -> memref<1x64x512xf32, #tpu.memory_space<hbm>>
      %dma_start3A_50 = tpu.memref_squeeze %dma_start3A_49 : memref<1x64x512xf32, #tpu.memory_space<hbm>> -> memref<64x512xf32, #tpu.memory_space<hbm>>
      tpu.enqueue_dma source(%dma_start3A_50 : memref<64x512xf32, #tpu.memory_space<hbm>>) target(%arg4 : memref<64x512xf32, #tpu.memory_space<vmem>>) target_semaphore(%run_scoped3A : memref<!tpu.dma_semaphore, #tpu.memory_space<semaphore_mem>>)
      %dma_wait3A = arith.constant 0 : i32
      %dma_wait3A_51 = tpu.memref_slice %arg2[%select_n3A, %dma_wait3A, %mul3A_32] : memref<16x64x1024xf32, #tpu.memory_space<hbm>> -> memref<1x64x512xf32, #tpu.memory_space<hbm>>
      %dma_wait3A_52 = tpu.memref_squeeze %dma_wait3A_51 : memref<1x64x512xf32, #tpu.memory_space<hbm>> -> memref<64x512xf32, #tpu.memory_space<hbm>>
      %dma_wait3A_53 = arith.constant 0 : i32
      %dma_wait3A_54 = tpu.memref_slice %arg2[%select_n3A, %dma_wait3A_53, %mul3A_32] : memref<16x64x1024xf32, #tpu.memory_space<hbm>> -> memref<1x64x512xf32, #tpu.memory_space<hbm>>
      %dma_wait3A_55 = tpu.memref_squeeze %dma_wait3A_54 : memref<1x64x512xf32, #tpu.memory_space<hbm>> -> memref<64x512xf32, #tpu.memory_space<hbm>>
      tpu.wait_dma2 semaphore(%run_scoped3A : memref<!tpu.dma_semaphore, #tpu.memory_space<semaphore_mem>>) src(%dma_wait3A_55 : memref<64x512xf32, #tpu.memory_space<hbm>>) dst(%arg4 : memref<64x512xf32, #tpu.memory_space<vmem>>)
      tpu.yield
    }) : () -> ()
    %iota3A = tpu.iota {dimensions = array<i32: 0>} : vector<16xi32>
    %broadcast_in_dim3A = arith.constant 0xFF800000 : f32
    %broadcast_in_dim3A_33 = vector.broadcast %broadcast_in_dim3A : f32 to vector<16xf32>
    %broadcast_in_dim3A_34 = arith.constant 0.000000e+00 : f32
    %broadcast_in_dim3A_35 = vector.broadcast %broadcast_in_dim3A_34 : f32 to vector<16xf32>
    %broadcast_in_dim3A_36 = arith.constant 0 : i32
    %broadcast_in_dim3A_37 = vector.broadcast %broadcast_in_dim3A_36 : i32 to vector<16xi32>
    %scan3A = arith.constant 0 : i32
    %scan3A_38 = arith.constant 0 : i32
    %scan3A_39 = arith.constant 32 : i32
    %scan3A_40 = arith.addi %scan3A_38, %scan3A_39 : i32
    %scan3A_41 = arith.constant 1 : i32
    %scan3A_42 = scf.for %scan3A_46 = %scan3A_38 to %scan3A_40 step %scan3A_41 iter_args(%scan3A_47 = %scan3A) -> (i32)  : i32 {
      %mul3A_48 = arith.constant 16 : i32
      %mul3A_49 = arith.muli %scan3A_46, %mul3A_48 : i32
      %mul3A_50 = arith.constant 64 : i32
      %mul3A_51 = arith.muli %mul3A_49, %mul3A_50 : i32
      %add3A_52 = arith.constant 0 : i32
      %add3A_53 = arith.addi %mul3A_51, %add3A_52 : i32
      %swap3A = arith.index_cast %add3A_53 : i32 to index
      %swap3A_54 = tpu.vector_load %arg5[%swap3A] {strides = array<i32>} : memref<32768xf32, #tpu.memory_space<vmem>>, vector<16xf32>,
      tpu.vector_store %arg5[%swap3A], %broadcast_in_dim3A_35 {strides = array<i32>} : memref<32768xf32, #tpu.memory_space<vmem>>, vector<16xf32>,
      %add3A_55 = arith.constant 16 : i32
      %add3A_56 = arith.addi %mul3A_51, %add3A_55 : i32
      %swap3A_57 = arith.index_cast %add3A_56 : i32 to index
      %swap3A_58 = tpu.vector_load %arg5[%swap3A_57] {strides = array<i32>} : memref<32768xf32, #tpu.memory_space<vmem>>, vector<16xf32>,
      tpu.vector_store %arg5[%swap3A_57], %broadcast_in_dim3A_35 {strides = array<i32>} : memref<32768xf32, #tpu.memory_space<vmem>>, vector<16xf32>,
      %add3A_59 = arith.constant 32 : i32
      %add3A_60 = arith.addi %mul3A_51, %add3A_59 : i32
      %swap3A_61 = arith.index_cast %add3A_60 : i32 to index
      %swap3A_62 = tpu.vector_load %arg5[%swap3A_61] {strides = array<i32>} : memref<32768xf32, #tpu.memory_space<vmem>>, vector<16xf32>,
      tpu.vector_store %arg5[%swap3A_61], %broadcast_in_dim3A_35 {strides = array<i32>} : memref<32768xf32, #tpu.memory_space<vmem>>, vector<16xf32>,
      %add3A_63 = arith.constant 48 : i32
      %add3A_64 = arith.addi %mul3A_51, %add3A_63 : i32
      %swap3A_65 = arith.index_cast %add3A_64 : i32 to index
      %swap3A_66 = tpu.vector_load %arg5[%swap3A_65] {strides = array<i32>} : memref<32768xf32, #tpu.memory_space<vmem>>, vector<16xf32>,
      tpu.vector_store %arg5[%swap3A_65], %broadcast_in_dim3A_35 {strides = array<i32>} : memref<32768xf32, #tpu.memory_space<vmem>>, vector<16xf32>,
      %add3A_67 = arith.constant 64 : i32
      %add3A_68 = arith.addi %mul3A_51, %add3A_67 : i32
      %swap3A_69 = arith.index_cast %add3A_68 : i32 to index
      %swap3A_70 = tpu.vector_load %arg5[%swap3A_69] {strides = array<i32>} : memref<32768xf32, #tpu.memory_space<vmem>>, vector<16xf32>,
      tpu.vector_store %arg5[%swap3A_69], %broadcast_in_dim3A_35 {strides = array<i32>} : memref<32768xf32, #tpu.memory_space<vmem>>, vector<16xf32>,
      %add3A_71 = arith.constant 80 : i32
      %add3A_72 = arith.addi %mul3A_51, %add3A_71 : i32
      %swap3A_73 = arith.index_cast %add3A_72 : i32 to index
      %swap3A_74 = tpu.vector_load %arg5[%swap3A_73] {strides = array<i32>} : memref<32768xf32, #tpu.memory_space<vmem>>, vector<16xf32>,
      tpu.vector_store %arg5[%swap3A_73], %broadcast_in_dim3A_35 {strides = array<i32>} : memref<32768xf32, #tpu.memory_space<vmem>>, vector<16xf32>,
      %add3A_75 = arith.constant 96 : i32
      %add3A_76 = arith.addi %mul3A_51, %add3A_75 : i32
      %swap3A_77 = arith.index_cast %add3A_76 : i32 to index
      %swap3A_78 = tpu.vector_load %arg5[%swap3A_77] {strides = array<i32>} : memref<32768xf32, #tpu.memory_space<vmem>>, vector<16xf32>,
      tpu.vector_store %arg5[%swap3A_77], %broadcast_in_dim3A_35 {strides = array<i32>} : memref<32768xf32, #tpu.memory_space<vmem>>, vector<16xf32>,
      %add3A_79 = arith.constant 112 : i32
      %add3A_80 = arith.addi %mul3A_51, %add3A_79 : i32
      %swap3A_81 = arith.index_cast %add3A_80 : i32 to index
      %swap3A_82 = tpu.vector_load %arg5[%swap3A_81] {strides = array<i32>} : memref<32768xf32, #tpu.memory_space<vmem>>, vector<16xf32>,
      tpu.vector_store %arg5[%swap3A_81], %broadcast_in_dim3A_35 {strides = array<i32>} : memref<32768xf32, #tpu.memory_space<vmem>>, vector<16xf32>,
      %add3A_83 = arith.constant 128 : i32
      %add3A_84 = arith.addi %mul3A_51, %add3A_83 : i32
      %swap3A_85 = arith.index_cast %add3A_84 : i32 to index
      %swap3A_86 = tpu.vector_load %arg5[%swap3A_85] {strides = array<i32>} : memref<32768xf32, #tpu.memory_space<vmem>>, vector<16xf32>,
      tpu.vector_store %arg5[%swap3A_85], %broadcast_in_dim3A_35 {strides = array<i32>} : memref<32768xf32, #tpu.memory_space<vmem>>, vector<16xf32>,
      %add3A_87 = arith.constant 144 : i32
      %add3A_88 = arith.addi %mul3A_51, %add3A_87 : i32
      %swap3A_89 = arith.index_cast %add3A_88 : i32 to index
      %swap3A_90 = tpu.vector_load %arg5[%swap3A_89] {strides = array<i32>} : memref<32768xf32, #tpu.memory_space<vmem>>, vector<16xf32>,
      tpu.vector_store %arg5[%swap3A_89], %broadcast_in_dim3A_35 {strides = array<i32>} : memref<32768xf32, #tpu.memory_space<vmem>>, vector<16xf32>,
      %add3A_91 = arith.constant 160 : i32
      %add3A_92 = arith.addi %mul3A_51, %add3A_91 : i32
      %swap3A_93 = arith.index_cast %add3A_92 : i32 to index
      %swap3A_94 = tpu.vector_load %arg5[%swap3A_93] {strides = array<i32>} : memref<32768xf32, #tpu.memory_space<vmem>>, vector<16xf32>,
      tpu.vector_store %arg5[%swap3A_93], %broadcast_in_dim3A_35 {strides = array<i32>} : memref<32768xf32, #tpu.memory_space<vmem>>, vector<16xf32>,
      %add3A_95 = arith.constant 176 : i32
      %add3A_96 = arith.addi %mul3A_51, %add3A_95 : i32
      %swap3A_97 = arith.index_cast %add3A_96 : i32 to index
      %swap3A_98 = tpu.vector_load %arg5[%swap3A_97] {strides = array<i32>} : memref<32768xf32, #tpu.memory_space<vmem>>, vector<16xf32>,
      tpu.vector_store %arg5[%swap3A_97], %broadcast_in_dim3A_35 {strides = array<i32>} : memref<32768xf32, #tpu.memory_space<vmem>>, vector<16xf32>,
      %add3A_99 = arith.constant 192 : i32
      %add3A_100 = arith.addi %mul3A_51, %add3A_99 : i32
      %swap3A_101 = arith.index_cast %add3A_100 : i32 to index
      %swap3A_102 = tpu.vector_load %arg5[%swap3A_101] {strides = array<i32>} : memref<32768xf32, #tpu.memory_space<vmem>>, vector<16xf32>,
      tpu.vector_store %arg5[%swap3A_101], %broadcast_in_dim3A_35 {strides = array<i32>} : memref<32768xf32, #tpu.memory_space<vmem>>, vector<16xf32>,
      %add3A_103 = arith.constant 208 : i32
      %add3A_104 = arith.addi %mul3A_51, %add3A_103 : i32
      %swap3A_105 = arith.index_cast %add3A_104 : i32 to index
      %swap3A_106 = tpu.vector_load %arg5[%swap3A_105] {strides = array<i32>} : memref<32768xf32, #tpu.memory_space<vmem>>, vector<16xf32>,
      tpu.vector_store %arg5[%swap3A_105], %broadcast_in_dim3A_35 {strides = array<i32>} : memref<32768xf32, #tpu.memory_space<vmem>>, vector<16xf32>,
      %add3A_107 = arith.constant 224 : i32
      %add3A_108 = arith.addi %mul3A_51, %add3A_107 : i32
      %swap3A_109 = arith.index_cast %add3A_108 : i32 to index
      %swap3A_110 = tpu.vector_load %arg5[%swap3A_109] {strides = array<i32>} : memref<32768xf32, #tpu.memory_space<vmem>>, vector<16xf32>,
      tpu.vector_store %arg5[%swap3A_109], %broadcast_in_dim3A_35 {strides = array<i32>} : memref<32768xf32, #tpu.memory_space<vmem>>, vector<16xf32>,
      %add3A_111 = arith.constant 240 : i32
      %add3A_112 = arith.addi %mul3A_51, %add3A_111 : i32
      %swap3A_113 = arith.index_cast %add3A_112 : i32 to index
      %swap3A_114 = tpu.vector_load %arg5[%swap3A_113] {strides = array<i32>} : memref<32768xf32, #tpu.memory_space<vmem>>, vector<16xf32>,
      tpu.vector_store %arg5[%swap3A_113], %broadcast_in_dim3A_35 {strides = array<i32>} : memref<32768xf32, #tpu.memory_space<vmem>>, vector<16xf32>,
      %add3A_115 = arith.constant 256 : i32
      %add3A_116 = arith.addi %mul3A_51, %add3A_115 : i32
      %swap3A_117 = arith.index_cast %add3A_116 : i32 to index
      %swap3A_118 = tpu.vector_load %arg5[%swap3A_117] {strides = array<i32>} : memref<32768xf32, #tpu.memory_space<vmem>>, vector<16xf32>,
      tpu.vector_store %arg5[%swap3A_117], %broadcast_in_dim3A_35 {strides = array<i32>} : memref<32768xf32, #tpu.memory_space<vmem>>, vector<16xf32>,
      %add3A_119 = arith.constant 272 : i32
      %add3A_120 = arith.addi %mul3A_51, %add3A_119 : i32
      %swap3A_121 = arith.index_cast %add3A_120 : i32 to index
      %swap3A_122 = tpu.vector_load %arg5[%swap3A_121] {strides = array<i32>} : memref<32768xf32, #tpu.memory_space<vmem>>, vector<16xf32>,
      tpu.vector_store %arg5[%swap3A_121], %broadcast_in_dim3A_35 {strides = array<i32>} : memref<32768xf32, #tpu.memory_space<vmem>>, vector<16xf32>,
      %add3A_123 = arith.constant 288 : i32
      %add3A_124 = arith.addi %mul3A_51, %add3A_123 : i32
      %swap3A_125 = arith.index_cast %add3A_124 : i32 to index
      %swap3A_126 = tpu.vector_load %arg5[%swap3A_125] {strides = array<i32>} : memref<32768xf32, #tpu.memory_space<vmem>>, vector<16xf32>,
      tpu.vector_store %arg5[%swap3A_125], %broadcast_in_dim3A_35 {strides = array<i32>} : memref<32768xf32, #tpu.memory_space<vmem>>, vector<16xf32>,
      %add3A_127 = arith.constant 304 : i32
      %add3A_128 = arith.addi %mul3A_51, %add3A_127 : i32
      %swap3A_129 = arith.index_cast %add3A_128 : i32 to index
      %swap3A_130 = tpu.vector_load %arg5[%swap3A_129] {strides = array<i32>} : memref<32768xf32, #tpu.memory_space<vmem>>, vector<16xf32>,
      tpu.vector_store %arg5[%swap3A_129], %broadcast_in_dim3A_35 {strides = array<i32>} : memref<32768xf32, #tpu.memory_space<vmem>>, vector<16xf32>,
      %add3A_131 = arith.constant 320 : i32
      %add3A_132 = arith.addi %mul3A_51, %add3A_131 : i32
      %swap3A_133 = arith.index_cast %add3A_132 : i32 to index
      %swap3A_134 = tpu.vector_load %arg5[%swap3A_133] {strides = array<i32>} : memref<32768xf32, #tpu.memory_space<vmem>>, vector<16xf32>,
      tpu.vector_store %arg5[%swap3A_133], %broadcast_in_dim3A_35 {strides = array<i32>} : memref<32768xf32, #tpu.memory_space<vmem>>, vector<16xf32>,
      %add3A_135 = arith.constant 336 : i32
      %add3A_136 = arith.addi %mul3A_51, %add3A_135 : i32
      %swap3A_137 = arith.index_cast %add3A_136 : i32 to index
      %swap3A_138 = tpu.vector_load %arg5[%swap3A_137] {strides = array<i32>} : memref<32768xf32, #tpu.memory_space<vmem>>, vector<16xf32>,
      tpu.vector_store %arg5[%swap3A_137], %broadcast_in_dim3A_35 {strides = array<i32>} : memref<32768xf32, #tpu.memory_space<vmem>>, vector<16xf32>,
      %add3A_139 = arith.constant 352 : i32
      %add3A_140 = arith.addi %mul3A_51, %add3A_139 : i32
      %swap3A_141 = arith.index_cast %add3A_140 : i32 to index
      %swap3A_142 = tpu.vector_load %arg5[%swap3A_141] {strides = array<i32>} : memref<32768xf32, #tpu.memory_space<vmem>>, vector<16xf32>,
      tpu.vector_store %arg5[%swap3A_141], %broadcast_in_dim3A_35 {strides = array<i32>} : memref<32768xf32, #tpu.memory_space<vmem>>, vector<16xf32>,
      %add3A_143 = arith.constant 368 : i32
      %add3A_144 = arith.addi %mul3A_51, %add3A_143 : i32
      %swap3A_145 = arith.index_cast %add3A_144 : i32 to index
      %swap3A_146 = tpu.vector_load %arg5[%swap3A_145] {strides = array<i32>} : memref<32768xf32, #tpu.memory_space<vmem>>, vector<16xf32>,
      tpu.vector_store %arg5[%swap3A_145], %broadcast_in_dim3A_35 {strides = array<i32>} : memref<32768xf32, #tpu.memory_space<vmem>>, vector<16xf32>,
      %add3A_147 = arith.constant 384 : i32
      %add3A_148 = arith.addi %mul3A_51, %add3A_147 : i32
      %swap3A_149 = arith.index_cast %add3A_148 : i32 to index
      %swap3A_150 = tpu.vector_load %arg5[%swap3A_149] {strides = array<i32>} : memref<32768xf32, #tpu.memory_space<vmem>>, vector<16xf32>,
      tpu.vector_store %arg5[%swap3A_149], %broadcast_in_dim3A_35 {strides = array<i32>} : memref<32768xf32, #tpu.memory_space<vmem>>, vector<16xf32>,
      %add3A_151 = arith.constant 400 : i32
      %add3A_152 = arith.addi %mul3A_51, %add3A_151 : i32
      %swap3A_153 = arith.index_cast %add3A_152 : i32 to index
      %swap3A_154 = tpu.vector_load %arg5[%swap3A_153] {strides = array<i32>} : memref<32768xf32, #tpu.memory_space<vmem>>, vector<16xf32>,
      tpu.vector_store %arg5[%swap3A_153], %broadcast_in_dim3A_35 {strides = array<i32>} : memref<32768xf32, #tpu.memory_space<vmem>>, vector<16xf32>,
      %add3A_155 = arith.constant 416 : i32
      %add3A_156 = arith.addi %mul3A_51, %add3A_155 : i32
      %swap3A_157 = arith.index_cast %add3A_156 : i32 to index
      %swap3A_158 = tpu.vector_load %arg5[%swap3A_157] {strides = array<i32>} : memref<32768xf32, #tpu.memory_space<vmem>>, vector<16xf32>,
      tpu.vector_store %arg5[%swap3A_157], %broadcast_in_dim3A_35 {strides = array<i32>} : memref<32768xf32, #tpu.memory_space<vmem>>, vector<16xf32>,
      %add3A_159 = arith.constant 432 : i32
      %add3A_160 = arith.addi %mul3A_51, %add3A_159 : i32
      %swap3A_161 = arith.index_cast %add3A_160 : i32 to index
      %swap3A_162 = tpu.vector_load %arg5[%swap3A_161] {strides = array<i32>} : memref<32768xf32, #tpu.memory_space<vmem>>, vector<16xf32>,
      tpu.vector_store %arg5[%swap3A_161], %broadcast_in_dim3A_35 {strides = array<i32>} : memref<32768xf32, #tpu.memory_space<vmem>>, vector<16xf32>,
      %add3A_163 = arith.constant 448 : i32
      %add3A_164 = arith.addi %mul3A_51, %add3A_163 : i32
      %swap3A_165 = arith.index_cast %add3A_164 : i32 to index
      %swap3A_166 = tpu.vector_load %arg5[%swap3A_165] {strides = array<i32>} : memref<32768xf32, #tpu.memory_space<vmem>>, vector<16xf32>,
      tpu.vector_store %arg5[%swap3A_165], %broadcast_in_dim3A_35 {strides = array<i32>} : memref<32768xf32, #tpu.memory_space<vmem>>, vector<16xf32>,
      %add3A_167 = arith.constant 464 : i32
      %add3A_168 = arith.addi %mul3A_51, %add3A_167 : i32
      %swap3A_169 = arith.index_cast %add3A_168 : i32 to index
      %swap3A_170 = tpu.vector_load %arg5[%swap3A_169] {strides = array<i32>} : memref<32768xf32, #tpu.memory_space<vmem>>, vector<16xf32>,
      tpu.vector_store %arg5[%swap3A_169], %broadcast_in_dim3A_35 {strides = array<i32>} : memref<32768xf32, #tpu.memory_space<vmem>>, vector<16xf32>,
      %add3A_171 = arith.constant 480 : i32
      %add3A_172 = arith.addi %mul3A_51, %add3A_171 : i32
      %swap3A_173 = arith.index_cast %add3A_172 : i32 to index
      %swap3A_174 = tpu.vector_load %arg5[%swap3A_173] {strides = array<i32>} : memref<32768xf32, #tpu.memory_space<vmem>>, vector<16xf32>,
      tpu.vector_store %arg5[%swap3A_173], %broadcast_in_dim3A_35 {strides = array<i32>} : memref<32768xf32, #tpu.memory_space<vmem>>, vector<16xf32>,
      %add3A_175 = arith.constant 496 : i32
      %add3A_176 = arith.addi %mul3A_51, %add3A_175 : i32
      %swap3A_177 = arith.index_cast %add3A_176 : i32 to index
      %swap3A_178 = tpu.vector_load %arg5[%swap3A_177] {strides = array<i32>} : memref<32768xf32, #tpu.memory_space<vmem>>, vector<16xf32>,
      tpu.vector_store %arg5[%swap3A_177], %broadcast_in_dim3A_35 {strides = array<i32>} : memref<32768xf32, #tpu.memory_space<vmem>>, vector<16xf32>,
      %add3A_179 = arith.constant 512 : i32
      %add3A_180 = arith.addi %mul3A_51, %add3A_179 : i32
      %swap3A_181 = arith.index_cast %add3A_180 : i32 to index
      %swap3A_182 = tpu.vector_load %arg5[%swap3A_181] {strides = array<i32>} : memref<32768xf32, #tpu.memory_space<vmem>>, vector<16xf32>,
      tpu.vector_store %arg5[%swap3A_181], %broadcast_in_dim3A_35 {strides = array<i32>} : memref<32768xf32, #tpu.memory_space<vmem>>, vector<16xf32>,
      %add3A_183 = arith.constant 528 : i32
      %add3A_184 = arith.addi %mul3A_51, %add3A_183 : i32
      %swap3A_185 = arith.index_cast %add3A_184 : i32 to index
      %swap3A_186 = tpu.vector_load %arg5[%swap3A_185] {strides = array<i32>} : memref<32768xf32, #tpu.memory_space<vmem>>, vector<16xf32>,
      tpu.vector_store %arg5[%swap3A_185], %broadcast_in_dim3A_35 {strides = array<i32>} : memref<32768xf32, #tpu.memory_space<vmem>>, vector<16xf32>,
      %add3A_187 = arith.constant 544 : i32
      %add3A_188 = arith.addi %mul3A_51, %add3A_187 : i32
      %swap3A_189 = arith.index_cast %add3A_188 : i32 to index
      %swap3A_190 = tpu.vector_load %arg5[%swap3A_189] {strides = array<i32>} : memref<32768xf32, #tpu.memory_space<vmem>>, vector<16xf32>,
      tpu.vector_store %arg5[%swap3A_189], %broadcast_in_dim3A_35 {strides = array<i32>} : memref<32768xf32, #tpu.memory_space<vmem>>, vector<16xf32>,
      %add3A_191 = arith.constant 560 : i32
      %add3A_192 = arith.addi %mul3A_51, %add3A_191 : i32
      %swap3A_193 = arith.index_cast %add3A_192 : i32 to index
      %swap3A_194 = tpu.vector_load %arg5[%swap3A_193] {strides = array<i32>} : memref<32768xf32, #tpu.memory_space<vmem>>, vector<16xf32>,
      tpu.vector_store %arg5[%swap3A_193], %broadcast_in_dim3A_35 {strides = array<i32>} : memref<32768xf32, #tpu.memory_space<vmem>>, vector<16xf32>,
      %add3A_195 = arith.constant 576 : i32
      %add3A_196 = arith.addi %mul3A_51, %add3A_195 : i32
      %swap3A_197 = arith.index_cast %add3A_196 : i32 to index
      %swap3A_198 = tpu.vector_load %arg5[%swap3A_197] {strides = array<i32>} : memref<32768xf32, #tpu.memory_space<vmem>>, vector<16xf32>,
      tpu.vector_store %arg5[%swap3A_197], %broadcast_in_dim3A_35 {strides = array<i32>} : memref<32768xf32, #tpu.memory_space<vmem>>, vector<16xf32>,
      %add3A_199 = arith.constant 592 : i32
      %add3A_200 = arith.addi %mul3A_51, %add3A_199 : i32
      %swap3A_201 = arith.index_cast %add3A_200 : i32 to index
      %swap3A_202 = tpu.vector_load %arg5[%swap3A_201] {strides = array<i32>} : memref<32768xf32, #tpu.memory_space<vmem>>, vector<16xf32>,
      tpu.vector_store %arg5[%swap3A_201], %broadcast_in_dim3A_35 {strides = array<i32>} : memref<32768xf32, #tpu.memory_space<vmem>>, vector<16xf32>,
      %add3A_203 = arith.constant 608 : i32
      %add3A_204 = arith.addi %mul3A_51, %add3A_203 : i32
      %swap3A_205 = arith.index_cast %add3A_204 : i32 to index
      %swap3A_206 = tpu.vector_load %arg5[%swap3A_205] {strides = array<i32>} : memref<32768xf32, #tpu.memory_space<vmem>>, vector<16xf32>,
      tpu.vector_store %arg5[%swap3A_205], %broadcast_in_dim3A_35 {strides = array<i32>} : memref<32768xf32, #tpu.memory_space<vmem>>, vector<16xf32>,
      %add3A_207 = arith.constant 624 : i32
      %add3A_208 = arith.addi %mul3A_51, %add3A_207 : i32
      %swap3A_209 = arith.index_cast %add3A_208 : i32 to index
      %swap3A_210 = tpu.vector_load %arg5[%swap3A_209] {strides = array<i32>} : memref<32768xf32, #tpu.memory_space<vmem>>, vector<16xf32>,
      tpu.vector_store %arg5[%swap3A_209], %broadcast_in_dim3A_35 {strides = array<i32>} : memref<32768xf32, #tpu.memory_space<vmem>>, vector<16xf32>,
      %add3A_211 = arith.constant 640 : i32
      %add3A_212 = arith.addi %mul3A_51, %add3A_211 : i32
      %swap3A_213 = arith.index_cast %add3A_212 : i32 to index
      %swap3A_214 = tpu.vector_load %arg5[%swap3A_213] {strides = array<i32>} : memref<32768xf32, #tpu.memory_space<vmem>>, vector<16xf32>,
      tpu.vector_store %arg5[%swap3A_213], %broadcast_in_dim3A_35 {strides = array<i32>} : memref<32768xf32, #tpu.memory_space<vmem>>, vector<16xf32>,
      %add3A_215 = arith.constant 656 : i32
      %add3A_216 = arith.addi %mul3A_51, %add3A_215 : i32
      %swap3A_217 = arith.index_cast %add3A_216 : i32 to index
      %swap3A_218 = tpu.vector_load %arg5[%swap3A_217] {strides = array<i32>} : memref<32768xf32, #tpu.memory_space<vmem>>, vector<16xf32>,
      tpu.vector_store %arg5[%swap3A_217], %broadcast_in_dim3A_35 {strides = array<i32>} : memref<32768xf32, #tpu.memory_space<vmem>>, vector<16xf32>,
      %add3A_219 = arith.constant 672 : i32
      %add3A_220 = arith.addi %mul3A_51, %add3A_219 : i32
      %swap3A_221 = arith.index_cast %add3A_220 : i32 to index
      %swap3A_222 = tpu.vector_load %arg5[%swap3A_221] {strides = array<i32>} : memref<32768xf32, #tpu.memory_space<vmem>>, vector<16xf32>,
      tpu.vector_store %arg5[%swap3A_221], %broadcast_in_dim3A_35 {strides = array<i32>} : memref<32768xf32, #tpu.memory_space<vmem>>, vector<16xf32>,
      %add3A_223 = arith.constant 688 : i32
      %add3A_224 = arith.addi %mul3A_51, %add3A_223 : i32
      %swap3A_225 = arith.index_cast %add3A_224 : i32 to index
      %swap3A_226 = tpu.vector_load %arg5[%swap3A_225] {strides = array<i32>} : memref<32768xf32, #tpu.memory_space<vmem>>, vector<16xf32>,
      tpu.vector_store %arg5[%swap3A_225], %broadcast_in_dim3A_35 {strides = array<i32>} : memref<32768xf32, #tpu.memory_space<vmem>>, vector<16xf32>,
      %add3A_227 = arith.constant 704 : i32
      %add3A_228 = arith.addi %mul3A_51, %add3A_227 : i32
      %swap3A_229 = arith.index_cast %add3A_228 : i32 to index
      %swap3A_230 = tpu.vector_load %arg5[%swap3A_229] {strides = array<i32>} : memref<32768xf32, #tpu.memory_space<vmem>>, vector<16xf32>,
      tpu.vector_store %arg5[%swap3A_229], %broadcast_in_dim3A_35 {strides = array<i32>} : memref<32768xf32, #tpu.memory_space<vmem>>, vector<16xf32>,
      %add3A_231 = arith.constant 720 : i32
      %add3A_232 = arith.addi %mul3A_51, %add3A_231 : i32
      %swap3A_233 = arith.index_cast %add3A_232 : i32 to index
      %swap3A_234 = tpu.vector_load %arg5[%swap3A_233] {strides = array<i32>} : memref<32768xf32, #tpu.memory_space<vmem>>, vector<16xf32>,
      tpu.vector_store %arg5[%swap3A_233], %broadcast_in_dim3A_35 {strides = array<i32>} : memref<32768xf32, #tpu.memory_space<vmem>>, vector<16xf32>,
      %add3A_235 = arith.constant 736 : i32
      %add3A_236 = arith.addi %mul3A_51, %add3A_235 : i32
      %swap3A_237 = arith.index_cast %add3A_236 : i32 to index
      %swap3A_238 = tpu.vector_load %arg5[%swap3A_237] {strides = array<i32>} : memref<32768xf32, #tpu.memory_space<vmem>>, vector<16xf32>,
      tpu.vector_store %arg5[%swap3A_237], %broadcast_in_dim3A_35 {strides = array<i32>} : memref<32768xf32, #tpu.memory_space<vmem>>, vector<16xf32>,
      %add3A_239 = arith.constant 752 : i32
      %add3A_240 = arith.addi %mul3A_51, %add3A_239 : i32
      %swap3A_241 = arith.index_cast %add3A_240 : i32 to index
      %swap3A_242 = tpu.vector_load %arg5[%swap3A_241] {strides = array<i32>} : memref<32768xf32, #tpu.memory_space<vmem>>, vector<16xf32>,
      tpu.vector_store %arg5[%swap3A_241], %broadcast_in_dim3A_35 {strides = array<i32>} : memref<32768xf32, #tpu.memory_space<vmem>>, vector<16xf32>,
      %add3A_243 = arith.constant 768 : i32
      %add3A_244 = arith.addi %mul3A_51, %add3A_243 : i32
      %swap3A_245 = arith.index_cast %add3A_244 : i32 to index
      %swap3A_246 = tpu.vector_load %arg5[%swap3A_245] {strides = array<i32>} : memref<32768xf32, #tpu.memory_space<vmem>>, vector<16xf32>,
      tpu.vector_store %arg5[%swap3A_245], %broadcast_in_dim3A_35 {strides = array<i32>} : memref<32768xf32, #tpu.memory_space<vmem>>, vector<16xf32>,
      %add3A_247 = arith.constant 784 : i32
      %add3A_248 = arith.addi %mul3A_51, %add3A_247 : i32
      %swap3A_249 = arith.index_cast %add3A_248 : i32 to index
      %swap3A_250 = tpu.vector_load %arg5[%swap3A_249] {strides = array<i32>} : memref<32768xf32, #tpu.memory_space<vmem>>, vector<16xf32>,
      tpu.vector_store %arg5[%swap3A_249], %broadcast_in_dim3A_35 {strides = array<i32>} : memref<32768xf32, #tpu.memory_space<vmem>>, vector<16xf32>,
      %add3A_251 = arith.constant 800 : i32
      %add3A_252 = arith.addi %mul3A_51, %add3A_251 : i32
      %swap3A_253 = arith.index_cast %add3A_252 : i32 to index
      %swap3A_254 = tpu.vector_load %arg5[%swap3A_253] {strides = array<i32>} : memref<32768xf32, #tpu.memory_space<vmem>>, vector<16xf32>,
      tpu.vector_store %arg5[%swap3A_253], %broadcast_in_dim3A_35 {strides = array<i32>} : memref<32768xf32, #tpu.memory_space<vmem>>, vector<16xf32>,
      %add3A_255 = arith.constant 816 : i32
      %add3A_256 = arith.addi %mul3A_51, %add3A_255 : i32
      %swap3A_257 = arith.index_cast %add3A_256 : i32 to index
      %swap3A_258 = tpu.vector_load %arg5[%swap3A_257] {strides = array<i32>} : memref<32768xf32, #tpu.memory_space<vmem>>, vector<16xf32>,
      tpu.vector_store %arg5[%swap3A_257], %broadcast_in_dim3A_35 {strides = array<i32>} : memref<32768xf32, #tpu.memory_space<vmem>>, vector<16xf32>,
      %add3A_259 = arith.constant 832 : i32
      %add3A_260 = arith.addi %mul3A_51, %add3A_259 : i32
      %swap3A_261 = arith.index_cast %add3A_260 : i32 to index
      %swap3A_262 = tpu.vector_load %arg5[%swap3A_261] {strides = array<i32>} : memref<32768xf32, #tpu.memory_space<vmem>>, vector<16xf32>,
      tpu.vector_store %arg5[%swap3A_261], %broadcast_in_dim3A_35 {strides = array<i32>} : memref<32768xf32, #tpu.memory_space<vmem>>, vector<16xf32>,
      %add3A_263 = arith.constant 848 : i32
      %add3A_264 = arith.addi %mul3A_51, %add3A_263 : i32
      %swap3A_265 = arith.index_cast %add3A_264 : i32 to index
      %swap3A_266 = tpu.vector_load %arg5[%swap3A_265] {strides = array<i32>} : memref<32768xf32, #tpu.memory_space<vmem>>, vector<16xf32>,
      tpu.vector_store %arg5[%swap3A_265], %broadcast_in_dim3A_35 {strides = array<i32>} : memref<32768xf32, #tpu.memory_space<vmem>>, vector<16xf32>,
      %add3A_267 = arith.constant 864 : i32
      %add3A_268 = arith.addi %mul3A_51, %add3A_267 : i32
      %swap3A_269 = arith.index_cast %add3A_268 : i32 to index
      %swap3A_270 = tpu.vector_load %arg5[%swap3A_269] {strides = array<i32>} : memref<32768xf32, #tpu.memory_space<vmem>>, vector<16xf32>,
      tpu.vector_store %arg5[%swap3A_269], %broadcast_in_dim3A_35 {strides = array<i32>} : memref<32768xf32, #tpu.memory_space<vmem>>, vector<16xf32>,
      %add3A_271 = arith.constant 880 : i32
      %add3A_272 = arith.addi %mul3A_51, %add3A_271 : i32
      %swap3A_273 = arith.index_cast %add3A_272 : i32 to index
      %swap3A_274 = tpu.vector_load %arg5[%swap3A_273] {strides = array<i32>} : memref<32768xf32, #tpu.memory_space<vmem>>, vector<16xf32>,
      tpu.vector_store %arg5[%swap3A_273], %broadcast_in_dim3A_35 {strides = array<i32>} : memref<32768xf32, #tpu.memory_space<vmem>>, vector<16xf32>,
      %add3A_275 = arith.constant 896 : i32
      %add3A_276 = arith.addi %mul3A_51, %add3A_275 : i32
      %swap3A_277 = arith.index_cast %add3A_276 : i32 to index
      %swap3A_278 = tpu.vector_load %arg5[%swap3A_277] {strides = array<i32>} : memref<32768xf32, #tpu.memory_space<vmem>>, vector<16xf32>,
      tpu.vector_store %arg5[%swap3A_277], %broadcast_in_dim3A_35 {strides = array<i32>} : memref<32768xf32, #tpu.memory_space<vmem>>, vector<16xf32>,
      %add3A_279 = arith.constant 912 : i32
      %add3A_280 = arith.addi %mul3A_51, %add3A_279 : i32
      %swap3A_281 = arith.index_cast %add3A_280 : i32 to index
      %swap3A_282 = tpu.vector_load %arg5[%swap3A_281] {strides = array<i32>} : memref<32768xf32, #tpu.memory_space<vmem>>, vector<16xf32>,
      tpu.vector_store %arg5[%swap3A_281], %broadcast_in_dim3A_35 {strides = array<i32>} : memref<32768xf32, #tpu.memory_space<vmem>>, vector<16xf32>,
      %add3A_283 = arith.constant 928 : i32
      %add3A_284 = arith.addi %mul3A_51, %add3A_283 : i32
      %swap3A_285 = arith.index_cast %add3A_284 : i32 to index
      %swap3A_286 = tpu.vector_load %arg5[%swap3A_285] {strides = array<i32>} : memref<32768xf32, #tpu.memory_space<vmem>>, vector<16xf32>,
      tpu.vector_store %arg5[%swap3A_285], %broadcast_in_dim3A_35 {strides = array<i32>} : memref<32768xf32, #tpu.memory_space<vmem>>, vector<16xf32>,
      %add3A_287 = arith.constant 944 : i32
      %add3A_288 = arith.addi %mul3A_51, %add3A_287 : i32
      %swap3A_289 = arith.index_cast %add3A_288 : i32 to index
      %swap3A_290 = tpu.vector_load %arg5[%swap3A_289] {strides = array<i32>} : memref<32768xf32, #tpu.memory_space<vmem>>, vector<16xf32>,
      tpu.vector_store %arg5[%swap3A_289], %broadcast_in_dim3A_35 {strides = array<i32>} : memref<32768xf32, #tpu.memory_space<vmem>>, vector<16xf32>,
      %add3A_291 = arith.constant 960 : i32
      %add3A_292 = arith.addi %mul3A_51, %add3A_291 : i32
      %swap3A_293 = arith.index_cast %add3A_292 : i32 to index
      %swap3A_294 = tpu.vector_load %arg5[%swap3A_293] {strides = array<i32>} : memref<32768xf32, #tpu.memory_space<vmem>>, vector<16xf32>,
      tpu.vector_store %arg5[%swap3A_293], %broadcast_in_dim3A_35 {strides = array<i32>} : memref<32768xf32, #tpu.memory_space<vmem>>, vector<16xf32>,
      %add3A_295 = arith.constant 976 : i32
      %add3A_296 = arith.addi %mul3A_51, %add3A_295 : i32
      %swap3A_297 = arith.index_cast %add3A_296 : i32 to index
      %swap3A_298 = tpu.vector_load %arg5[%swap3A_297] {strides = array<i32>} : memref<32768xf32, #tpu.memory_space<vmem>>, vector<16xf32>,
      tpu.vector_store %arg5[%swap3A_297], %broadcast_in_dim3A_35 {strides = array<i32>} : memref<32768xf32, #tpu.memory_space<vmem>>, vector<16xf32>,
      %add3A_299 = arith.constant 992 : i32
      %add3A_300 = arith.addi %mul3A_51, %add3A_299 : i32
      %swap3A_301 = arith.index_cast %add3A_300 : i32 to index
      %swap3A_302 = tpu.vector_load %arg5[%swap3A_301] {strides = array<i32>} : memref<32768xf32, #tpu.memory_space<vmem>>, vector<16xf32>,
      tpu.vector_store %arg5[%swap3A_301], %broadcast_in_dim3A_35 {strides = array<i32>} : memref<32768xf32, #tpu.memory_space<vmem>>, vector<16xf32>,
      %add3A_303 = arith.constant 1008 : i32
      %add3A_304 = arith.addi %mul3A_51, %add3A_303 : i32
      %swap3A_305 = arith.index_cast %add3A_304 : i32 to index
      %swap3A_306 = tpu.vector_load %arg5[%swap3A_305] {strides = array<i32>} : memref<32768xf32, #tpu.memory_space<vmem>>, vector<16xf32>,
      tpu.vector_store %arg5[%swap3A_305], %broadcast_in_dim3A_35 {strides = array<i32>} : memref<32768xf32, #tpu.memory_space<vmem>>, vector<16xf32>,
      %get3A = arith.constant 0 : i32
      %get3A_307 = arith.index_cast %get3A : i32 to index
      %get3A_308 = arith.index_cast %mul3A_49 : i32 to index
      %get3A_309 = tpu.vector_load %arg4[%get3A_307, %get3A_308] {strides = array<i32>} : memref<64x512xf32, #tpu.memory_space<vmem>>, vector<16xf32>,
      %broadcast_in_dim3A_310 = arith.constant 0 : i32
      %broadcast_in_dim3A_311 = vector.broadcast %broadcast_in_dim3A_310 : i32 to vector<16xi32>
      %gt3A = arith.cmpf ogt, %get3A_309, %broadcast_in_dim3A_33 : vector<16xf32>
      %gt3A_312 = arith.cmpf ogt, %get3A_309, %broadcast_in_dim3A_33 : vector<16xf32>
      %select_n3A_313 = arith.select %gt3A_312, %get3A_309, %broadcast_in_dim3A_33 : vector<16xi1>, vector<16xf32>
      %select_n3A_314 = arith.select %gt3A_312, %broadcast_in_dim3A_311, %broadcast_in_dim3A_37 : vector<16xi1>, vector<16xi32>
      %select_n3A_315 = arith.select %gt3A, %broadcast_in_dim3A_33, %select_n3A_313 : vector<16xi1>, vector<16xf32>
      %select_n3A_316 = arith.select %gt3A, %broadcast_in_dim3A_37, %select_n3A_314 : vector<16xi1>, vector<16xi32>
      %select_n3A_317 = arith.select %gt3A, %get3A_309, %broadcast_in_dim3A_33 : vector<16xi1>, vector<16xf32>
      %select_n3A_318 = arith.select %gt3A, %broadcast_in_dim3A_311, %broadcast_in_dim3A_37 : vector<16xi1>, vector<16xi32>
      %get3A_319 = arith.constant 1 : i32
      %get3A_320 = arith.index_cast %get3A_319 : i32 to index
      %get3A_321 = arith.index_cast %mul3A_49 : i32 to index
      %get3A_322 = tpu.vector_load %arg4[%get3A_320, %get3A_321] {strides = array<i32>} : memref<64x512xf32, #tpu.memory_space<vmem>>, vector<16xf32>,
      %broadcast_in_dim3A_323 = arith.constant 1 : i32
      %broadcast_in_dim3A_324 = vector.broadcast %broadcast_in_dim3A_323 : i32 to vector<16xi32>
      %gt3A_325 = arith.cmpf ogt, %get3A_322, %select_n3A_317 : vector<16xf32>
      %gt3A_326 = arith.cmpf ogt, %get3A_322, %select_n3A_315 : vector<16xf32>
      %select_n3A_327 = arith.select %gt3A_326, %get3A_322, %select_n3A_315 : vector<16xi1>, vector<16xf32>
      %select_n3A_328 = arith.select %gt3A_326, %broadcast_in_dim3A_324, %select_n3A_316 : vector<16xi1>, vector<16xi32>
      %select_n3A_329 = arith.select %gt3A_325, %select_n3A_317, %select_n3A_327 : vector<16xi1>, vector<16xf32>
      %select_n3A_330 = arith.select %gt3A_325, %select_n3A_318, %select_n3A_328 : vector<16xi1>, vector<16xi32>
      %select_n3A_331 = arith.select %gt3A_325, %get3A_322, %select_n3A_317 : vector<16xi1>, vector<16xf32>
      %select_n3A_332 = arith.select %gt3A_325, %broadcast_in_dim3A_324, %select_n3A_318 : vector<16xi1>, vector<16xi32>
      %get3A_333 = arith.constant 2 : i32
      %get3A_334 = arith.index_cast %get3A_333 : i32 to index
      %get3A_335 = arith.index_cast %mul3A_49 : i32 to index
      %get3A_336 = tpu.vector_load %arg4[%get3A_334, %get3A_335] {strides = array<i32>} : memref<64x512xf32, #tpu.memory_space<vmem>>, vector<16xf32>,
      %broadcast_in_dim3A_337 = arith.constant 2 : i32
      %broadcast_in_dim3A_338 = vector.broadcast %broadcast_in_dim3A_337 : i32 to vector<16xi32>
      %gt3A_339 = arith.cmpf ogt, %get3A_336, %select_n3A_331 : vector<16xf32>
      %gt3A_340 = arith.cmpf ogt, %get3A_336, %select_n3A_329 : vector<16xf32>
      %select_n3A_341 = arith.select %gt3A_340, %get3A_336, %select_n3A_329 : vector<16xi1>, vector<16xf32>
      %select_n3A_342 = arith.select %gt3A_340, %broadcast_in_dim3A_338, %select_n3A_330 : vector<16xi1>, vector<16xi32>
      %select_n3A_343 = arith.select %gt3A_339, %select_n3A_331, %select_n3A_341 : vector<16xi1>, vector<16xf32>
      %select_n3A_344 = arith.select %gt3A_339, %select_n3A_332, %select_n3A_342 : vector<16xi1>, vector<16xi32>
      %select_n3A_345 = arith.select %gt3A_339, %get3A_336, %select_n3A_331 : vector<16xi1>, vector<16xf32>
      %select_n3A_346 = arith.select %gt3A_339, %broadcast_in_dim3A_338, %select_n3A_332 : vector<16xi1>, vector<16xi32>
      %get3A_347 = arith.constant 3 : i32
      %get3A_348 = arith.index_cast %get3A_347 : i32 to index
      %get3A_349 = arith.index_cast %mul3A_49 : i32 to index
      %get3A_350 = tpu.vector_load %arg4[%get3A_348, %get3A_349] {strides = array<i32>} : memref<64x512xf32, #tpu.memory_space<vmem>>, vector<16xf32>,
      %broadcast_in_dim3A_351 = arith.constant 3 : i32
      %broadcast_in_dim3A_352 = vector.broadcast %broadcast_in_dim3A_351 : i32 to vector<16xi32>
      %gt3A_353 = arith.cmpf ogt, %get3A_350, %select_n3A_345 : vector<16xf32>
      %gt3A_354 = arith.cmpf ogt, %get3A_350, %select_n3A_343 : vector<16xf32>
      %select_n3A_355 = arith.select %gt3A_354, %get3A_350, %select_n3A_343 : vector<16xi1>, vector<16xf32>
      %select_n3A_356 = arith.select %gt3A_354, %broadcast_in_dim3A_352, %select_n3A_344 : vector<16xi1>, vector<16xi32>
      %select_n3A_357 = arith.select %gt3A_353, %select_n3A_345, %select_n3A_355 : vector<16xi1>, vector<16xf32>
      %select_n3A_358 = arith.select %gt3A_353, %select_n3A_346, %select_n3A_356 : vector<16xi1>, vector<16xi32>
      %select_n3A_359 = arith.select %gt3A_353, %get3A_350, %select_n3A_345 : vector<16xi1>, vector<16xf32>
      %select_n3A_360 = arith.select %gt3A_353, %broadcast_in_dim3A_352, %select_n3A_346 : vector<16xi1>, vector<16xi32>
      %get3A_361 = arith.constant 4 : i32
      %get3A_362 = arith.index_cast %get3A_361 : i32 to index
      %get3A_363 = arith.index_cast %mul3A_49 : i32 to index
      %get3A_364 = tpu.vector_load %arg4[%get3A_362, %get3A_363] {strides = array<i32>} : memref<64x512xf32, #tpu.memory_space<vmem>>, vector<16xf32>,
      %broadcast_in_dim3A_365 = arith.constant 4 : i32
      %broadcast_in_dim3A_366 = vector.broadcast %broadcast_in_dim3A_365 : i32 to vector<16xi32>
      %gt3A_367 = arith.cmpf ogt, %get3A_364, %select_n3A_359 : vector<16xf32>
      %gt3A_368 = arith.cmpf ogt, %get3A_364, %select_n3A_357 : vector<16xf32>
      %select_n3A_369 = arith.select %gt3A_368, %get3A_364, %select_n3A_357 : vector<16xi1>, vector<16xf32>
      %select_n3A_370 = arith.select %gt3A_368, %broadcast_in_dim3A_366, %select_n3A_358 : vector<16xi1>, vector<16xi32>
      %select_n3A_371 = arith.select %gt3A_367, %select_n3A_359, %select_n3A_369 : vector<16xi1>, vector<16xf32>
      %select_n3A_372 = arith.select %gt3A_367, %select_n3A_360, %select_n3A_370 : vector<16xi1>, vector<16xi32>
      %select_n3A_373 = arith.select %gt3A_367, %get3A_364, %select_n3A_359 : vector<16xi1>, vector<16xf32>
      %select_n3A_374 = arith.select %gt3A_367, %broadcast_in_dim3A_366, %select_n3A_360 : vector<16xi1>, vector<16xi32>
      %get3A_375 = arith.constant 5 : i32
      %get3A_376 = arith.index_cast %get3A_375 : i32 to index
      %get3A_377 = arith.index_cast %mul3A_49 : i32 to index
      %get3A_378 = tpu.vector_load %arg4[%get3A_376, %get3A_377] {strides = array<i32>} : memref<64x512xf32, #tpu.memory_space<vmem>>, vector<16xf32>,
      %broadcast_in_dim3A_379 = arith.constant 5 : i32
      %broadcast_in_dim3A_380 = vector.broadcast %broadcast_in_dim3A_379 : i32 to vector<16xi32>
      %gt3A_381 = arith.cmpf ogt, %get3A_378, %select_n3A_373 : vector<16xf32>
      %gt3A_382 = arith.cmpf ogt, %get3A_378, %select_n3A_371 : vector<16xf32>
      %select_n3A_383 = arith.select %gt3A_382, %get3A_378, %select_n3A_371 : vector<16xi1>, vector<16xf32>
      %select_n3A_384 = arith.select %gt3A_382, %broadcast_in_dim3A_380, %select_n3A_372 : vector<16xi1>, vector<16xi32>
      %select_n3A_385 = arith.select %gt3A_381, %select_n3A_373, %select_n3A_383 : vector<16xi1>, vector<16xf32>
      %select_n3A_386 = arith.select %gt3A_381, %select_n3A_374, %select_n3A_384 : vector<16xi1>, vector<16xi32>
      %select_n3A_387 = arith.select %gt3A_381, %get3A_378, %select_n3A_373 : vector<16xi1>, vector<16xf32>
      %select_n3A_388 = arith.select %gt3A_381, %broadcast_in_dim3A_380, %select_n3A_374 : vector<16xi1>, vector<16xi32>
      %get3A_389 = arith.constant 6 : i32
      %get3A_390 = arith.index_cast %get3A_389 : i32 to index
      %get3A_391 = arith.index_cast %mul3A_49 : i32 to index
      %get3A_392 = tpu.vector_load %arg4[%get3A_390, %get3A_391] {strides = array<i32>} : memref<64x512xf32, #tpu.memory_space<vmem>>, vector<16xf32>,
      %broadcast_in_dim3A_393 = arith.constant 6 : i32
      %broadcast_in_dim3A_394 = vector.broadcast %broadcast_in_dim3A_393 : i32 to vector<16xi32>
      %gt3A_395 = arith.cmpf ogt, %get3A_392, %select_n3A_387 : vector<16xf32>
      %gt3A_396 = arith.cmpf ogt, %get3A_392, %select_n3A_385 : vector<16xf32>
      %select_n3A_397 = arith.select %gt3A_396, %get3A_392, %select_n3A_385 : vector<16xi1>, vector<16xf32>
      %select_n3A_398 = arith.select %gt3A_396, %broadcast_in_dim3A_394, %select_n3A_386 : vector<16xi1>, vector<16xi32>
      %select_n3A_399 = arith.select %gt3A_395, %select_n3A_387, %select_n3A_397 : vector<16xi1>, vector<16xf32>
      %select_n3A_400 = arith.select %gt3A_395, %select_n3A_388, %select_n3A_398 : vector<16xi1>, vector<16xi32>
      %select_n3A_401 = arith.select %gt3A_395, %get3A_392, %select_n3A_387 : vector<16xi1>, vector<16xf32>
      %select_n3A_402 = arith.select %gt3A_395, %broadcast_in_dim3A_394, %select_n3A_388 : vector<16xi1>, vector<16xi32>
      %get3A_403 = arith.constant 7 : i32
      %get3A_404 = arith.index_cast %get3A_403 : i32 to index
      %get3A_405 = arith.index_cast %mul3A_49 : i32 to index
      %get3A_406 = tpu.vector_load %arg4[%get3A_404, %get3A_405] {strides = array<i32>} : memref<64x512xf32, #tpu.memory_space<vmem>>, vector<16xf32>,
      %broadcast_in_dim3A_407 = arith.constant 7 : i32
      %broadcast_in_dim3A_408 = vector.broadcast %broadcast_in_dim3A_407 : i32 to vector<16xi32>
      %gt3A_409 = arith.cmpf ogt, %get3A_406, %select_n3A_401 : vector<16xf32>
      %gt3A_410 = arith.cmpf ogt, %get3A_406, %select_n3A_399 : vector<16xf32>
      %select_n3A_411 = arith.select %gt3A_410, %get3A_406, %select_n3A_399 : vector<16xi1>, vector<16xf32>
      %select_n3A_412 = arith.select %gt3A_410, %broadcast_in_dim3A_408, %select_n3A_400 : vector<16xi1>, vector<16xi32>
      %select_n3A_413 = arith.select %gt3A_409, %select_n3A_401, %select_n3A_411 : vector<16xi1>, vector<16xf32>
      %select_n3A_414 = arith.select %gt3A_409, %select_n3A_402, %select_n3A_412 : vector<16xi1>, vector<16xi32>
      %select_n3A_415 = arith.select %gt3A_409, %get3A_406, %select_n3A_401 : vector<16xi1>, vector<16xf32>
      %select_n3A_416 = arith.select %gt3A_409, %broadcast_in_dim3A_408, %select_n3A_402 : vector<16xi1>, vector<16xi32>
      %get3A_417 = arith.constant 8 : i32
      %get3A_418 = arith.index_cast %get3A_417 : i32 to index
      %get3A_419 = arith.index_cast %mul3A_49 : i32 to index
      %get3A_420 = tpu.vector_load %arg4[%get3A_418, %get3A_419] {strides = array<i32>} : memref<64x512xf32, #tpu.memory_space<vmem>>, vector<16xf32>,
      %broadcast_in_dim3A_421 = arith.constant 8 : i32
      %broadcast_in_dim3A_422 = vector.broadcast %broadcast_in_dim3A_421 : i32 to vector<16xi32>
      %gt3A_423 = arith.cmpf ogt, %get3A_420, %select_n3A_415 : vector<16xf32>
      %gt3A_424 = arith.cmpf ogt, %get3A_420, %select_n3A_413 : vector<16xf32>
      %select_n3A_425 = arith.select %gt3A_424, %get3A_420, %select_n3A_413 : vector<16xi1>, vector<16xf32>
      %select_n3A_426 = arith.select %gt3A_424, %broadcast_in_dim3A_422, %select_n3A_414 : vector<16xi1>, vector<16xi32>
      %select_n3A_427 = arith.select %gt3A_423, %select_n3A_415, %select_n3A_425 : vector<16xi1>, vector<16xf32>
      %select_n3A_428 = arith.select %gt3A_423, %select_n3A_416, %select_n3A_426 : vector<16xi1>, vector<16xi32>
      %select_n3A_429 = arith.select %gt3A_423, %get3A_420, %select_n3A_415 : vector<16xi1>, vector<16xf32>
      %select_n3A_430 = arith.select %gt3A_423, %broadcast_in_dim3A_422, %select_n3A_416 : vector<16xi1>, vector<16xi32>
      %get3A_431 = arith.constant 9 : i32
      %get3A_432 = arith.index_cast %get3A_431 : i32 to index
      %get3A_433 = arith.index_cast %mul3A_49 : i32 to index
      %get3A_434 = tpu.vector_load %arg4[%get3A_432, %get3A_433] {strides = array<i32>} : memref<64x512xf32, #tpu.memory_space<vmem>>, vector<16xf32>,
      %broadcast_in_dim3A_435 = arith.constant 9 : i32
      %broadcast_in_dim3A_436 = vector.broadcast %broadcast_in_dim3A_435 : i32 to vector<16xi32>
      %gt3A_437 = arith.cmpf ogt, %get3A_434, %select_n3A_429 : vector<16xf32>
      %gt3A_438 = arith.cmpf ogt, %get3A_434, %select_n3A_427 : vector<16xf32>
      %select_n3A_439 = arith.select %gt3A_438, %get3A_434, %select_n3A_427 : vector<16xi1>, vector<16xf32>
      %select_n3A_440 = arith.select %gt3A_438, %broadcast_in_dim3A_436, %select_n3A_428 : vector<16xi1>, vector<16xi32>
      %select_n3A_441 = arith.select %gt3A_437, %select_n3A_429, %select_n3A_439 : vector<16xi1>, vector<16xf32>
      %select_n3A_442 = arith.select %gt3A_437, %select_n3A_430, %select_n3A_440 : vector<16xi1>, vector<16xi32>
      %select_n3A_443 = arith.select %gt3A_437, %get3A_434, %select_n3A_429 : vector<16xi1>, vector<16xf32>
      %select_n3A_444 = arith.select %gt3A_437, %broadcast_in_dim3A_436, %select_n3A_430 : vector<16xi1>, vector<16xi32>
      %get3A_445 = arith.constant 10 : i32
      %get3A_446 = arith.index_cast %get3A_445 : i32 to index
      %get3A_447 = arith.index_cast %mul3A_49 : i32 to index
      %get3A_448 = tpu.vector_load %arg4[%get3A_446, %get3A_447] {strides = array<i32>} : memref<64x512xf32, #tpu.memory_space<vmem>>, vector<16xf32>,
      %broadcast_in_dim3A_449 = arith.constant 10 : i32
      %broadcast_in_dim3A_450 = vector.broadcast %broadcast_in_dim3A_449 : i32 to vector<16xi32>
      %gt3A_451 = arith.cmpf ogt, %get3A_448, %select_n3A_443 : vector<16xf32>
      %gt3A_452 = arith.cmpf ogt, %get3A_448, %select_n3A_441 : vector<16xf32>
      %select_n3A_453 = arith.select %gt3A_452, %get3A_448, %select_n3A_441 : vector<16xi1>, vector<16xf32>
      %select_n3A_454 = arith.select %gt3A_452, %broadcast_in_dim3A_450, %select_n3A_442 : vector<16xi1>, vector<16xi32>
      %select_n3A_455 = arith.select %gt3A_451, %select_n3A_443, %select_n3A_453 : vector<16xi1>, vector<16xf32>
      %select_n3A_456 = arith.select %gt3A_451, %select_n3A_444, %select_n3A_454 : vector<16xi1>, vector<16xi32>
      %select_n3A_457 = arith.select %gt3A_451, %get3A_448, %select_n3A_443 : vector<16xi1>, vector<16xf32>
      %select_n3A_458 = arith.select %gt3A_451, %broadcast_in_dim3A_450, %select_n3A_444 : vector<16xi1>, vector<16xi32>
      %get3A_459 = arith.constant 11 : i32
      %get3A_460 = arith.index_cast %get3A_459 : i32 to index
      %get3A_461 = arith.index_cast %mul3A_49 : i32 to index
      %get3A_462 = tpu.vector_load %arg4[%get3A_460, %get3A_461] {strides = array<i32>} : memref<64x512xf32, #tpu.memory_space<vmem>>, vector<16xf32>,
      %broadcast_in_dim3A_463 = arith.constant 11 : i32
      %broadcast_in_dim3A_464 = vector.broadcast %broadcast_in_dim3A_463 : i32 to vector<16xi32>
      %gt3A_465 = arith.cmpf ogt, %get3A_462, %select_n3A_457 : vector<16xf32>
      %gt3A_466 = arith.cmpf ogt, %get3A_462, %select_n3A_455 : vector<16xf32>
      %select_n3A_467 = arith.select %gt3A_466, %get3A_462, %select_n3A_455 : vector<16xi1>, vector<16xf32>
      %select_n3A_468 = arith.select %gt3A_466, %broadcast_in_dim3A_464, %select_n3A_456 : vector<16xi1>, vector<16xi32>
      %select_n3A_469 = arith.select %gt3A_465, %select_n3A_457, %select_n3A_467 : vector<16xi1>, vector<16xf32>
      %select_n3A_470 = arith.select %gt3A_465, %select_n3A_458, %select_n3A_468 : vector<16xi1>, vector<16xi32>
      %select_n3A_471 = arith.select %gt3A_465, %get3A_462, %select_n3A_457 : vector<16xi1>, vector<16xf32>
      %select_n3A_472 = arith.select %gt3A_465, %broadcast_in_dim3A_464, %select_n3A_458 : vector<16xi1>, vector<16xi32>
      %get3A_473 = arith.constant 12 : i32
      %get3A_474 = arith.index_cast %get3A_473 : i32 to index
      %get3A_475 = arith.index_cast %mul3A_49 : i32 to index
      %get3A_476 = tpu.vector_load %arg4[%get3A_474, %get3A_475] {strides = array<i32>} : memref<64x512xf32, #tpu.memory_space<vmem>>, vector<16xf32>,
      %broadcast_in_dim3A_477 = arith.constant 12 : i32
      %broadcast_in_dim3A_478 = vector.broadcast %broadcast_in_dim3A_477 : i32 to vector<16xi32>
      %gt3A_479 = arith.cmpf ogt, %get3A_476, %select_n3A_471 : vector<16xf32>
      %gt3A_480 = arith.cmpf ogt, %get3A_476, %select_n3A_469 : vector<16xf32>
      %select_n3A_481 = arith.select %gt3A_480, %get3A_476, %select_n3A_469 : vector<16xi1>, vector<16xf32>
      %select_n3A_482 = arith.select %gt3A_480, %broadcast_in_dim3A_478, %select_n3A_470 : vector<16xi1>, vector<16xi32>
      %select_n3A_483 = arith.select %gt3A_479, %select_n3A_471, %select_n3A_481 : vector<16xi1>, vector<16xf32>
      %select_n3A_484 = arith.select %gt3A_479, %select_n3A_472, %select_n3A_482 : vector<16xi1>, vector<16xi32>
      %select_n3A_485 = arith.select %gt3A_479, %get3A_476, %select_n3A_471 : vector<16xi1>, vector<16xf32>
      %select_n3A_486 = arith.select %gt3A_479, %broadcast_in_dim3A_478, %select_n3A_472 : vector<16xi1>, vector<16xi32>
      %get3A_487 = arith.constant 13 : i32
      %get3A_488 = arith.index_cast %get3A_487 : i32 to index
      %get3A_489 = arith.index_cast %mul3A_49 : i32 to index
      %get3A_490 = tpu.vector_load %arg4[%get3A_488, %get3A_489] {strides = array<i32>} : memref<64x512xf32, #tpu.memory_space<vmem>>, vector<16xf32>,
      %broadcast_in_dim3A_491 = arith.constant 13 : i32
      %broadcast_in_dim3A_492 = vector.broadcast %broadcast_in_dim3A_491 : i32 to vector<16xi32>
      %gt3A_493 = arith.cmpf ogt, %get3A_490, %select_n3A_485 : vector<16xf32>
      %gt3A_494 = arith.cmpf ogt, %get3A_490, %select_n3A_483 : vector<16xf32>
      %select_n3A_495 = arith.select %gt3A_494, %get3A_490, %select_n3A_483 : vector<16xi1>, vector<16xf32>
      %select_n3A_496 = arith.select %gt3A_494, %broadcast_in_dim3A_492, %select_n3A_484 : vector<16xi1>, vector<16xi32>
      %select_n3A_497 = arith.select %gt3A_493, %select_n3A_485, %select_n3A_495 : vector<16xi1>, vector<16xf32>
      %select_n3A_498 = arith.select %gt3A_493, %select_n3A_486, %select_n3A_496 : vector<16xi1>, vector<16xi32>
      %select_n3A_499 = arith.select %gt3A_493, %get3A_490, %select_n3A_485 : vector<16xi1>, vector<16xf32>
      %select_n3A_500 = arith.select %gt3A_493, %broadcast_in_dim3A_492, %select_n3A_486 : vector<16xi1>, vector<16xi32>
      %get3A_501 = arith.constant 14 : i32
      %get3A_502 = arith.index_cast %get3A_501 : i32 to index
      %get3A_503 = arith.index_cast %mul3A_49 : i32 to index
      %get3A_504 = tpu.vector_load %arg4[%get3A_502, %get3A_503] {strides = array<i32>} : memref<64x512xf32, #tpu.memory_space<vmem>>, vector<16xf32>,
      %broadcast_in_dim3A_505 = arith.constant 14 : i32
      %broadcast_in_dim3A_506 = vector.broadcast %broadcast_in_dim3A_505 : i32 to vector<16xi32>
      %gt3A_507 = arith.cmpf ogt, %get3A_504, %select_n3A_499 : vector<16xf32>
      %gt3A_508 = arith.cmpf ogt, %get3A_504, %select_n3A_497 : vector<16xf32>
      %select_n3A_509 = arith.select %gt3A_508, %get3A_504, %select_n3A_497 : vector<16xi1>, vector<16xf32>
      %select_n3A_510 = arith.select %gt3A_508, %broadcast_in_dim3A_506, %select_n3A_498 : vector<16xi1>, vector<16xi32>
      %select_n3A_511 = arith.select %gt3A_507, %select_n3A_499, %select_n3A_509 : vector<16xi1>, vector<16xf32>
      %select_n3A_512 = arith.select %gt3A_507, %select_n3A_500, %select_n3A_510 : vector<16xi1>, vector<16xi32>
      %select_n3A_513 = arith.select %gt3A_507, %get3A_504, %select_n3A_499 : vector<16xi1>, vector<16xf32>
      %select_n3A_514 = arith.select %gt3A_507, %broadcast_in_dim3A_506, %select_n3A_500 : vector<16xi1>, vector<16xi32>
      %get3A_515 = arith.constant 15 : i32
      %get3A_516 = arith.index_cast %get3A_515 : i32 to index
      %get3A_517 = arith.index_cast %mul3A_49 : i32 to index
      %get3A_518 = tpu.vector_load %arg4[%get3A_516, %get3A_517] {strides = array<i32>} : memref<64x512xf32, #tpu.memory_space<vmem>>, vector<16xf32>,
      %broadcast_in_dim3A_519 = arith.constant 15 : i32
      %broadcast_in_dim3A_520 = vector.broadcast %broadcast_in_dim3A_519 : i32 to vector<16xi32>
      %gt3A_521 = arith.cmpf ogt, %get3A_518, %select_n3A_513 : vector<16xf32>
      %gt3A_522 = arith.cmpf ogt, %get3A_518, %select_n3A_511 : vector<16xf32>
      %select_n3A_523 = arith.select %gt3A_522, %get3A_518, %select_n3A_511 : vector<16xi1>, vector<16xf32>
      %select_n3A_524 = arith.select %gt3A_522, %broadcast_in_dim3A_520, %select_n3A_512 : vector<16xi1>, vector<16xi32>
      %select_n3A_525 = arith.select %gt3A_521, %select_n3A_513, %select_n3A_523 : vector<16xi1>, vector<16xf32>
      %select_n3A_526 = arith.select %gt3A_521, %select_n3A_514, %select_n3A_524 : vector<16xi1>, vector<16xi32>
      %select_n3A_527 = arith.select %gt3A_521, %get3A_518, %select_n3A_513 : vector<16xi1>, vector<16xf32>
      %select_n3A_528 = arith.select %gt3A_521, %broadcast_in_dim3A_520, %select_n3A_514 : vector<16xi1>, vector<16xi32>
      %get3A_529 = arith.constant 16 : i32
      %get3A_530 = arith.index_cast %get3A_529 : i32 to index
      %get3A_531 = arith.index_cast %mul3A_49 : i32 to index
      %get3A_532 = tpu.vector_load %arg4[%get3A_530, %get3A_531] {strides = array<i32>} : memref<64x512xf32, #tpu.memory_space<vmem>>, vector<16xf32>,
      %broadcast_in_dim3A_533 = arith.constant 16 : i32
      %broadcast_in_dim3A_534 = vector.broadcast %broadcast_in_dim3A_533 : i32 to vector<16xi32>
      %gt3A_535 = arith.cmpf ogt, %get3A_532, %broadcast_in_dim3A_33 : vector<16xf32>
      %gt3A_536 = arith.cmpf ogt, %get3A_532, %broadcast_in_dim3A_33 : vector<16xf32>
      %select_n3A_537 = arith.select %gt3A_536, %get3A_532, %broadcast_in_dim3A_33 : vector<16xi1>, vector<16xf32>
      %select_n3A_538 = arith.select %gt3A_536, %broadcast_in_dim3A_534, %broadcast_in_dim3A_37 : vector<16xi1>, vector<16xi32>
      %select_n3A_539 = arith.select %gt3A_535, %broadcast_in_dim3A_33, %select_n3A_537 : vector<16xi1>, vector<16xf32>
      %select_n3A_540 = arith.select %gt3A_535, %broadcast_in_dim3A_37, %select_n3A_538 : vector<16xi1>, vector<16xi32>
      %select_n3A_541 = arith.select %gt3A_535, %get3A_532, %broadcast_in_dim3A_33 : vector<16xi1>, vector<16xf32>
      %select_n3A_542 = arith.select %gt3A_535, %broadcast_in_dim3A_534, %broadcast_in_dim3A_37 : vector<16xi1>, vector<16xi32>
      %get3A_543 = arith.constant 17 : i32
      %get3A_544 = arith.index_cast %get3A_543 : i32 to index
      %get3A_545 = arith.index_cast %mul3A_49 : i32 to index
      %get3A_546 = tpu.vector_load %arg4[%get3A_544, %get3A_545] {strides = array<i32>} : memref<64x512xf32, #tpu.memory_space<vmem>>, vector<16xf32>,
      %broadcast_in_dim3A_547 = arith.constant 17 : i32
      %broadcast_in_dim3A_548 = vector.broadcast %broadcast_in_dim3A_547 : i32 to vector<16xi32>
      %gt3A_549 = arith.cmpf ogt, %get3A_546, %select_n3A_541 : vector<16xf32>
      %gt3A_550 = arith.cmpf ogt, %get3A_546, %select_n3A_539 : vector<16xf32>
      %select_n3A_551 = arith.select %gt3A_550, %get3A_546, %select_n3A_539 : vector<16xi1>, vector<16xf32>
      %select_n3A_552 = arith.select %gt3A_550, %broadcast_in_dim3A_548, %select_n3A_540 : vector<16xi1>, vector<16xi32>
      %select_n3A_553 = arith.select %gt3A_549, %select_n3A_541, %select_n3A_551 : vector<16xi1>, vector<16xf32>
      %select_n3A_554 = arith.select %gt3A_549, %select_n3A_542, %select_n3A_552 : vector<16xi1>, vector<16xi32>
      %select_n3A_555 = arith.select %gt3A_549, %get3A_546, %select_n3A_541 : vector<16xi1>, vector<16xf32>
      %select_n3A_556 = arith.select %gt3A_549, %broadcast_in_dim3A_548, %select_n3A_542 : vector<16xi1>, vector<16xi32>
      %get3A_557 = arith.constant 18 : i32
      %get3A_558 = arith.index_cast %get3A_557 : i32 to index
      %get3A_559 = arith.index_cast %mul3A_49 : i32 to index
      %get3A_560 = tpu.vector_load %arg4[%get3A_558, %get3A_559] {strides = array<i32>} : memref<64x512xf32, #tpu.memory_space<vmem>>, vector<16xf32>,
      %broadcast_in_dim3A_561 = arith.constant 18 : i32
      %broadcast_in_dim3A_562 = vector.broadcast %broadcast_in_dim3A_561 : i32 to vector<16xi32>
      %gt3A_563 = arith.cmpf ogt, %get3A_560, %select_n3A_555 : vector<16xf32>
      %gt3A_564 = arith.cmpf ogt, %get3A_560, %select_n3A_553 : vector<16xf32>
      %select_n3A_565 = arith.select %gt3A_564, %get3A_560, %select_n3A_553 : vector<16xi1>, vector<16xf32>
      %select_n3A_566 = arith.select %gt3A_564, %broadcast_in_dim3A_562, %select_n3A_554 : vector<16xi1>, vector<16xi32>
      %select_n3A_567 = arith.select %gt3A_563, %select_n3A_555, %select_n3A_565 : vector<16xi1>, vector<16xf32>
      %select_n3A_568 = arith.select %gt3A_563, %select_n3A_556, %select_n3A_566 : vector<16xi1>, vector<16xi32>
      %select_n3A_569 = arith.select %gt3A_563, %get3A_560, %select_n3A_555 : vector<16xi1>, vector<16xf32>
      %select_n3A_570 = arith.select %gt3A_563, %broadcast_in_dim3A_562, %select_n3A_556 : vector<16xi1>, vector<16xi32>
      %get3A_571 = arith.constant 19 : i32
      %get3A_572 = arith.index_cast %get3A_571 : i32 to index
      %get3A_573 = arith.index_cast %mul3A_49 : i32 to index
      %get3A_574 = tpu.vector_load %arg4[%get3A_572, %get3A_573] {strides = array<i32>} : memref<64x512xf32, #tpu.memory_space<vmem>>, vector<16xf32>,
      %broadcast_in_dim3A_575 = arith.constant 19 : i32
      %broadcast_in_dim3A_576 = vector.broadcast %broadcast_in_dim3A_575 : i32 to vector<16xi32>
      %gt3A_577 = arith.cmpf ogt, %get3A_574, %select_n3A_569 : vector<16xf32>
      %gt3A_578 = arith.cmpf ogt, %get3A_574, %select_n3A_567 : vector<16xf32>
      %select_n3A_579 = arith.select %gt3A_578, %get3A_574, %select_n3A_567 : vector<16xi1>, vector<16xf32>
      %select_n3A_580 = arith.select %gt3A_578, %broadcast_in_dim3A_576, %select_n3A_568 : vector<16xi1>, vector<16xi32>
      %select_n3A_581 = arith.select %gt3A_577, %select_n3A_569, %select_n3A_579 : vector<16xi1>, vector<16xf32>
      %select_n3A_582 = arith.select %gt3A_577, %select_n3A_570, %select_n3A_580 : vector<16xi1>, vector<16xi32>
      %select_n3A_583 = arith.select %gt3A_577, %get3A_574, %select_n3A_569 : vector<16xi1>, vector<16xf32>
      %select_n3A_584 = arith.select %gt3A_577, %broadcast_in_dim3A_576, %select_n3A_570 : vector<16xi1>, vector<16xi32>
      %get3A_585 = arith.constant 20 : i32
      %get3A_586 = arith.index_cast %get3A_585 : i32 to index
      %get3A_587 = arith.index_cast %mul3A_49 : i32 to index
      %get3A_588 = tpu.vector_load %arg4[%get3A_586, %get3A_587] {strides = array<i32>} : memref<64x512xf32, #tpu.memory_space<vmem>>, vector<16xf32>,
      %broadcast_in_dim3A_589 = arith.constant 20 : i32
      %broadcast_in_dim3A_590 = vector.broadcast %broadcast_in_dim3A_589 : i32 to vector<16xi32>
      %gt3A_591 = arith.cmpf ogt, %get3A_588, %select_n3A_583 : vector<16xf32>
      %gt3A_592 = arith.cmpf ogt, %get3A_588, %select_n3A_581 : vector<16xf32>
      %select_n3A_593 = arith.select %gt3A_592, %get3A_588, %select_n3A_581 : vector<16xi1>, vector<16xf32>
      %select_n3A_594 = arith.select %gt3A_592, %broadcast_in_dim3A_590, %select_n3A_582 : vector<16xi1>, vector<16xi32>
      %select_n3A_595 = arith.select %gt3A_591, %select_n3A_583, %select_n3A_593 : vector<16xi1>, vector<16xf32>
      %select_n3A_596 = arith.select %gt3A_591, %select_n3A_584, %select_n3A_594 : vector<16xi1>, vector<16xi32>
      %select_n3A_597 = arith.select %gt3A_591, %get3A_588, %select_n3A_583 : vector<16xi1>, vector<16xf32>
      %select_n3A_598 = arith.select %gt3A_591, %broadcast_in_dim3A_590, %select_n3A_584 : vector<16xi1>, vector<16xi32>
      %get3A_599 = arith.constant 21 : i32
      %get3A_600 = arith.index_cast %get3A_599 : i32 to index
      %get3A_601 = arith.index_cast %mul3A_49 : i32 to index
      %get3A_602 = tpu.vector_load %arg4[%get3A_600, %get3A_601] {strides = array<i32>} : memref<64x512xf32, #tpu.memory_space<vmem>>, vector<16xf32>,
      %broadcast_in_dim3A_603 = arith.constant 21 : i32
      %broadcast_in_dim3A_604 = vector.broadcast %broadcast_in_dim3A_603 : i32 to vector<16xi32>
      %gt3A_605 = arith.cmpf ogt, %get3A_602, %select_n3A_597 : vector<16xf32>
      %gt3A_606 = arith.cmpf ogt, %get3A_602, %select_n3A_595 : vector<16xf32>
      %select_n3A_607 = arith.select %gt3A_606, %get3A_602, %select_n3A_595 : vector<16xi1>, vector<16xf32>
      %select_n3A_608 = arith.select %gt3A_606, %broadcast_in_dim3A_604, %select_n3A_596 : vector<16xi1>, vector<16xi32>
      %select_n3A_609 = arith.select %gt3A_605, %select_n3A_597, %select_n3A_607 : vector<16xi1>, vector<16xf32>
      %select_n3A_610 = arith.select %gt3A_605, %select_n3A_598, %select_n3A_608 : vector<16xi1>, vector<16xi32>
      %select_n3A_611 = arith.select %gt3A_605, %get3A_602, %select_n3A_597 : vector<16xi1>, vector<16xf32>
      %select_n3A_612 = arith.select %gt3A_605, %broadcast_in_dim3A_604, %select_n3A_598 : vector<16xi1>, vector<16xi32>
      %get3A_613 = arith.constant 22 : i32
      %get3A_614 = arith.index_cast %get3A_613 : i32 to index
      %get3A_615 = arith.index_cast %mul3A_49 : i32 to index
      %get3A_616 = tpu.vector_load %arg4[%get3A_614, %get3A_615] {strides = array<i32>} : memref<64x512xf32, #tpu.memory_space<vmem>>, vector<16xf32>,
      %broadcast_in_dim3A_617 = arith.constant 22 : i32
      %broadcast_in_dim3A_618 = vector.broadcast %broadcast_in_dim3A_617 : i32 to vector<16xi32>
      %gt3A_619 = arith.cmpf ogt, %get3A_616, %select_n3A_611 : vector<16xf32>
      %gt3A_620 = arith.cmpf ogt, %get3A_616, %select_n3A_609 : vector<16xf32>
      %select_n3A_621 = arith.select %gt3A_620, %get3A_616, %select_n3A_609 : vector<16xi1>, vector<16xf32>
      %select_n3A_622 = arith.select %gt3A_620, %broadcast_in_dim3A_618, %select_n3A_610 : vector<16xi1>, vector<16xi32>
      %select_n3A_623 = arith.select %gt3A_619, %select_n3A_611, %select_n3A_621 : vector<16xi1>, vector<16xf32>
      %select_n3A_624 = arith.select %gt3A_619, %select_n3A_612, %select_n3A_622 : vector<16xi1>, vector<16xi32>
      %select_n3A_625 = arith.select %gt3A_619, %get3A_616, %select_n3A_611 : vector<16xi1>, vector<16xf32>
      %select_n3A_626 = arith.select %gt3A_619, %broadcast_in_dim3A_618, %select_n3A_612 : vector<16xi1>, vector<16xi32>
      %get3A_627 = arith.constant 23 : i32
      %get3A_628 = arith.index_cast %get3A_627 : i32 to index
      %get3A_629 = arith.index_cast %mul3A_49 : i32 to index
      %get3A_630 = tpu.vector_load %arg4[%get3A_628, %get3A_629] {strides = array<i32>} : memref<64x512xf32, #tpu.memory_space<vmem>>, vector<16xf32>,
      %broadcast_in_dim3A_631 = arith.constant 23 : i32
      %broadcast_in_dim3A_632 = vector.broadcast %broadcast_in_dim3A_631 : i32 to vector<16xi32>
      %gt3A_633 = arith.cmpf ogt, %get3A_630, %select_n3A_625 : vector<16xf32>
      %gt3A_634 = arith.cmpf ogt, %get3A_630, %select_n3A_623 : vector<16xf32>
      %select_n3A_635 = arith.select %gt3A_634, %get3A_630, %select_n3A_623 : vector<16xi1>, vector<16xf32>
      %select_n3A_636 = arith.select %gt3A_634, %broadcast_in_dim3A_632, %select_n3A_624 : vector<16xi1>, vector<16xi32>
      %select_n3A_637 = arith.select %gt3A_633, %select_n3A_625, %select_n3A_635 : vector<16xi1>, vector<16xf32>
      %select_n3A_638 = arith.select %gt3A_633, %select_n3A_626, %select_n3A_636 : vector<16xi1>, vector<16xi32>
      %select_n3A_639 = arith.select %gt3A_633, %get3A_630, %select_n3A_625 : vector<16xi1>, vector<16xf32>
      %select_n3A_640 = arith.select %gt3A_633, %broadcast_in_dim3A_632, %select_n3A_626 : vector<16xi1>, vector<16xi32>
      %get3A_641 = arith.constant 24 : i32
      %get3A_642 = arith.index_cast %get3A_641 : i32 to index
      %get3A_643 = arith.index_cast %mul3A_49 : i32 to index
      %get3A_644 = tpu.vector_load %arg4[%get3A_642, %get3A_643] {strides = array<i32>} : memref<64x512xf32, #tpu.memory_space<vmem>>, vector<16xf32>,
      %broadcast_in_dim3A_645 = arith.constant 24 : i32
      %broadcast_in_dim3A_646 = vector.broadcast %broadcast_in_dim3A_645 : i32 to vector<16xi32>
      %gt3A_647 = arith.cmpf ogt, %get3A_644, %select_n3A_639 : vector<16xf32>
      %gt3A_648 = arith.cmpf ogt, %get3A_644, %select_n3A_637 : vector<16xf32>
      %select_n3A_649 = arith.select %gt3A_648, %get3A_644, %select_n3A_637 : vector<16xi1>, vector<16xf32>
      %select_n3A_650 = arith.select %gt3A_648, %broadcast_in_dim3A_646, %select_n3A_638 : vector<16xi1>, vector<16xi32>
      %select_n3A_651 = arith.select %gt3A_647, %select_n3A_639, %select_n3A_649 : vector<16xi1>, vector<16xf32>
      %select_n3A_652 = arith.select %gt3A_647, %select_n3A_640, %select_n3A_650 : vector<16xi1>, vector<16xi32>
      %select_n3A_653 = arith.select %gt3A_647, %get3A_644, %select_n3A_639 : vector<16xi1>, vector<16xf32>
      %select_n3A_654 = arith.select %gt3A_647, %broadcast_in_dim3A_646, %select_n3A_640 : vector<16xi1>, vector<16xi32>
      %get3A_655 = arith.constant 25 : i32
      %get3A_656 = arith.index_cast %get3A_655 : i32 to index
      %get3A_657 = arith.index_cast %mul3A_49 : i32 to index
      %get3A_658 = tpu.vector_load %arg4[%get3A_656, %get3A_657] {strides = array<i32>} : memref<64x512xf32, #tpu.memory_space<vmem>>, vector<16xf32>,
      %broadcast_in_dim3A_659 = arith.constant 25 : i32
      %broadcast_in_dim3A_660 = vector.broadcast %broadcast_in_dim3A_659 : i32 to vector<16xi32>
      %gt3A_661 = arith.cmpf ogt, %get3A_658, %select_n3A_653 : vector<16xf32>
      %gt3A_662 = arith.cmpf ogt, %get3A_658, %select_n3A_651 : vector<16xf32>
      %select_n3A_663 = arith.select %gt3A_662, %get3A_658, %select_n3A_651 : vector<16xi1>, vector<16xf32>
      %select_n3A_664 = arith.select %gt3A_662, %broadcast_in_dim3A_660, %select_n3A_652 : vector<16xi1>, vector<16xi32>
      %select_n3A_665 = arith.select %gt3A_661, %select_n3A_653, %select_n3A_663 : vector<16xi1>, vector<16xf32>
      %select_n3A_666 = arith.select %gt3A_661, %select_n3A_654, %select_n3A_664 : vector<16xi1>, vector<16xi32>
      %select_n3A_667 = arith.select %gt3A_661, %get3A_658, %select_n3A_653 : vector<16xi1>, vector<16xf32>
      %select_n3A_668 = arith.select %gt3A_661, %broadcast_in_dim3A_660, %select_n3A_654 : vector<16xi1>, vector<16xi32>
      %get3A_669 = arith.constant 26 : i32
      %get3A_670 = arith.index_cast %get3A_669 : i32 to index
      %get3A_671 = arith.index_cast %mul3A_49 : i32 to index
      %get3A_672 = tpu.vector_load %arg4[%get3A_670, %get3A_671] {strides = array<i32>} : memref<64x512xf32, #tpu.memory_space<vmem>>, vector<16xf32>,
      %broadcast_in_dim3A_673 = arith.constant 26 : i32
      %broadcast_in_dim3A_674 = vector.broadcast %broadcast_in_dim3A_673 : i32 to vector<16xi32>
      %gt3A_675 = arith.cmpf ogt, %get3A_672, %select_n3A_667 : vector<16xf32>
      %gt3A_676 = arith.cmpf ogt, %get3A_672, %select_n3A_665 : vector<16xf32>
      %select_n3A_677 = arith.select %gt3A_676, %get3A_672, %select_n3A_665 : vector<16xi1>, vector<16xf32>
      %select_n3A_678 = arith.select %gt3A_676, %broadcast_in_dim3A_674, %select_n3A_666 : vector<16xi1>, vector<16xi32>
      %select_n3A_679 = arith.select %gt3A_675, %select_n3A_667, %select_n3A_677 : vector<16xi1>, vector<16xf32>
      %select_n3A_680 = arith.select %gt3A_675, %select_n3A_668, %select_n3A_678 : vector<16xi1>, vector<16xi32>
      %select_n3A_681 = arith.select %gt3A_675, %get3A_672, %select_n3A_667 : vector<16xi1>, vector<16xf32>
      %select_n3A_682 = arith.select %gt3A_675, %broadcast_in_dim3A_674, %select_n3A_668 : vector<16xi1>, vector<16xi32>
      %get3A_683 = arith.constant 27 : i32
      %get3A_684 = arith.index_cast %get3A_683 : i32 to index
      %get3A_685 = arith.index_cast %mul3A_49 : i32 to index
      %get3A_686 = tpu.vector_load %arg4[%get3A_684, %get3A_685] {strides = array<i32>} : memref<64x512xf32, #tpu.memory_space<vmem>>, vector<16xf32>,
      %broadcast_in_dim3A_687 = arith.constant 27 : i32
      %broadcast_in_dim3A_688 = vector.broadcast %broadcast_in_dim3A_687 : i32 to vector<16xi32>
      %gt3A_689 = arith.cmpf ogt, %get3A_686, %select_n3A_681 : vector<16xf32>
      %gt3A_690 = arith.cmpf ogt, %get3A_686, %select_n3A_679 : vector<16xf32>
      %select_n3A_691 = arith.select %gt3A_690, %get3A_686, %select_n3A_679 : vector<16xi1>, vector<16xf32>
      %select_n3A_692 = arith.select %gt3A_690, %broadcast_in_dim3A_688, %select_n3A_680 : vector<16xi1>, vector<16xi32>
      %select_n3A_693 = arith.select %gt3A_689, %select_n3A_681, %select_n3A_691 : vector<16xi1>, vector<16xf32>
      %select_n3A_694 = arith.select %gt3A_689, %select_n3A_682, %select_n3A_692 : vector<16xi1>, vector<16xi32>
      %select_n3A_695 = arith.select %gt3A_689, %get3A_686, %select_n3A_681 : vector<16xi1>, vector<16xf32>
      %select_n3A_696 = arith.select %gt3A_689, %broadcast_in_dim3A_688, %select_n3A_682 : vector<16xi1>, vector<16xi32>
      %get3A_697 = arith.constant 28 : i32
      %get3A_698 = arith.index_cast %get3A_697 : i32 to index
      %get3A_699 = arith.index_cast %mul3A_49 : i32 to index
      %get3A_700 = tpu.vector_load %arg4[%get3A_698, %get3A_699] {strides = array<i32>} : memref<64x512xf32, #tpu.memory_space<vmem>>, vector<16xf32>,
      %broadcast_in_dim3A_701 = arith.constant 28 : i32
      %broadcast_in_dim3A_702 = vector.broadcast %broadcast_in_dim3A_701 : i32 to vector<16xi32>
      %gt3A_703 = arith.cmpf ogt, %get3A_700, %select_n3A_695 : vector<16xf32>
      %gt3A_704 = arith.cmpf ogt, %get3A_700, %select_n3A_693 : vector<16xf32>
      %select_n3A_705 = arith.select %gt3A_704, %get3A_700, %select_n3A_693 : vector<16xi1>, vector<16xf32>
      %select_n3A_706 = arith.select %gt3A_704, %broadcast_in_dim3A_702, %select_n3A_694 : vector<16xi1>, vector<16xi32>
      %select_n3A_707 = arith.select %gt3A_703, %select_n3A_695, %select_n3A_705 : vector<16xi1>, vector<16xf32>
      %select_n3A_708 = arith.select %gt3A_703, %select_n3A_696, %select_n3A_706 : vector<16xi1>, vector<16xi32>
      %select_n3A_709 = arith.select %gt3A_703, %get3A_700, %select_n3A_695 : vector<16xi1>, vector<16xf32>
      %select_n3A_710 = arith.select %gt3A_703, %broadcast_in_dim3A_702, %select_n3A_696 : vector<16xi1>, vector<16xi32>
      %get3A_711 = arith.constant 29 : i32
      %get3A_712 = arith.index_cast %get3A_711 : i32 to index
      %get3A_713 = arith.index_cast %mul3A_49 : i32 to index
      %get3A_714 = tpu.vector_load %arg4[%get3A_712, %get3A_713] {strides = array<i32>} : memref<64x512xf32, #tpu.memory_space<vmem>>, vector<16xf32>,
      %broadcast_in_dim3A_715 = arith.constant 29 : i32
      %broadcast_in_dim3A_716 = vector.broadcast %broadcast_in_dim3A_715 : i32 to vector<16xi32>
      %gt3A_717 = arith.cmpf ogt, %get3A_714, %select_n3A_709 : vector<16xf32>
      %gt3A_718 = arith.cmpf ogt, %get3A_714, %select_n3A_707 : vector<16xf32>
      %select_n3A_719 = arith.select %gt3A_718, %get3A_714, %select_n3A_707 : vector<16xi1>, vector<16xf32>
      %select_n3A_720 = arith.select %gt3A_718, %broadcast_in_dim3A_716, %select_n3A_708 : vector<16xi1>, vector<16xi32>
      %select_n3A_721 = arith.select %gt3A_717, %select_n3A_709, %select_n3A_719 : vector<16xi1>, vector<16xf32>
      %select_n3A_722 = arith.select %gt3A_717, %select_n3A_710, %select_n3A_720 : vector<16xi1>, vector<16xi32>
      %select_n3A_723 = arith.select %gt3A_717, %get3A_714, %select_n3A_709 : vector<16xi1>, vector<16xf32>
      %select_n3A_724 = arith.select %gt3A_717, %broadcast_in_dim3A_716, %select_n3A_710 : vector<16xi1>, vector<16xi32>
      %get3A_725 = arith.constant 30 : i32
      %get3A_726 = arith.index_cast %get3A_725 : i32 to index
      %get3A_727 = arith.index_cast %mul3A_49 : i32 to index
      %get3A_728 = tpu.vector_load %arg4[%get3A_726, %get3A_727] {strides = array<i32>} : memref<64x512xf32, #tpu.memory_space<vmem>>, vector<16xf32>,
      %broadcast_in_dim3A_729 = arith.constant 30 : i32
      %broadcast_in_dim3A_730 = vector.broadcast %broadcast_in_dim3A_729 : i32 to vector<16xi32>
      %gt3A_731 = arith.cmpf ogt, %get3A_728, %select_n3A_723 : vector<16xf32>
      %gt3A_732 = arith.cmpf ogt, %get3A_728, %select_n3A_721 : vector<16xf32>
      %select_n3A_733 = arith.select %gt3A_732, %get3A_728, %select_n3A_721 : vector<16xi1>, vector<16xf32>
      %select_n3A_734 = arith.select %gt3A_732, %broadcast_in_dim3A_730, %select_n3A_722 : vector<16xi1>, vector<16xi32>
      %select_n3A_735 = arith.select %gt3A_731, %select_n3A_723, %select_n3A_733 : vector<16xi1>, vector<16xf32>
      %select_n3A_736 = arith.select %gt3A_731, %select_n3A_724, %select_n3A_734 : vector<16xi1>, vector<16xi32>
      %select_n3A_737 = arith.select %gt3A_731, %get3A_728, %select_n3A_723 : vector<16xi1>, vector<16xf32>
      %select_n3A_738 = arith.select %gt3A_731, %broadcast_in_dim3A_730, %select_n3A_724 : vector<16xi1>, vector<16xi32>
      %get3A_739 = arith.constant 31 : i32
      %get3A_740 = arith.index_cast %get3A_739 : i32 to index
      %get3A_741 = arith.index_cast %mul3A_49 : i32 to index
      %get3A_742 = tpu.vector_load %arg4[%get3A_740, %get3A_741] {strides = array<i32>} : memref<64x512xf32, #tpu.memory_space<vmem>>, vector<16xf32>,
      %broadcast_in_dim3A_743 = arith.constant 31 : i32
      %broadcast_in_dim3A_744 = vector.broadcast %broadcast_in_dim3A_743 : i32 to vector<16xi32>
      %gt3A_745 = arith.cmpf ogt, %get3A_742, %select_n3A_737 : vector<16xf32>
      %gt3A_746 = arith.cmpf ogt, %get3A_742, %select_n3A_735 : vector<16xf32>
      %select_n3A_747 = arith.select %gt3A_746, %get3A_742, %select_n3A_735 : vector<16xi1>, vector<16xf32>
      %select_n3A_748 = arith.select %gt3A_746, %broadcast_in_dim3A_744, %select_n3A_736 : vector<16xi1>, vector<16xi32>
      %select_n3A_749 = arith.select %gt3A_745, %select_n3A_737, %select_n3A_747 : vector<16xi1>, vector<16xf32>
      %select_n3A_750 = arith.select %gt3A_745, %select_n3A_738, %select_n3A_748 : vector<16xi1>, vector<16xi32>
      %select_n3A_751 = arith.select %gt3A_745, %get3A_742, %select_n3A_737 : vector<16xi1>, vector<16xf32>
      %select_n3A_752 = arith.select %gt3A_745, %broadcast_in_dim3A_744, %select_n3A_738 : vector<16xi1>, vector<16xi32>
      %get3A_753 = arith.constant 32 : i32
      %get3A_754 = arith.index_cast %get3A_753 : i32 to index
      %get3A_755 = arith.index_cast %mul3A_49 : i32 to index
      %get3A_756 = tpu.vector_load %arg4[%get3A_754, %get3A_755] {strides = array<i32>} : memref<64x512xf32, #tpu.memory_space<vmem>>, vector<16xf32>,
      %broadcast_in_dim3A_757 = arith.constant 32 : i32
      %broadcast_in_dim3A_758 = vector.broadcast %broadcast_in_dim3A_757 : i32 to vector<16xi32>
      %gt3A_759 = arith.cmpf ogt, %get3A_756, %broadcast_in_dim3A_33 : vector<16xf32>
      %gt3A_760 = arith.cmpf ogt, %get3A_756, %broadcast_in_dim3A_33 : vector<16xf32>
      %select_n3A_761 = arith.select %gt3A_760, %get3A_756, %broadcast_in_dim3A_33 : vector<16xi1>, vector<16xf32>
      %select_n3A_762 = arith.select %gt3A_760, %broadcast_in_dim3A_758, %broadcast_in_dim3A_37 : vector<16xi1>, vector<16xi32>
      %select_n3A_763 = arith.select %gt3A_759, %broadcast_in_dim3A_33, %select_n3A_761 : vector<16xi1>, vector<16xf32>
      %select_n3A_764 = arith.select %gt3A_759, %broadcast_in_dim3A_37, %select_n3A_762 : vector<16xi1>, vector<16xi32>
      %select_n3A_765 = arith.select %gt3A_759, %get3A_756, %broadcast_in_dim3A_33 : vector<16xi1>, vector<16xf32>
      %select_n3A_766 = arith.select %gt3A_759, %broadcast_in_dim3A_758, %broadcast_in_dim3A_37 : vector<16xi1>, vector<16xi32>
      %get3A_767 = arith.constant 33 : i32
      %get3A_768 = arith.index_cast %get3A_767 : i32 to index
      %get3A_769 = arith.index_cast %mul3A_49 : i32 to index
      %get3A_770 = tpu.vector_load %arg4[%get3A_768, %get3A_769] {strides = array<i32>} : memref<64x512xf32, #tpu.memory_space<vmem>>, vector<16xf32>,
      %broadcast_in_dim3A_771 = arith.constant 33 : i32
      %broadcast_in_dim3A_772 = vector.broadcast %broadcast_in_dim3A_771 : i32 to vector<16xi32>
      %gt3A_773 = arith.cmpf ogt, %get3A_770, %select_n3A_765 : vector<16xf32>
      %gt3A_774 = arith.cmpf ogt, %get3A_770, %select_n3A_763 : vector<16xf32>
      %select_n3A_775 = arith.select %gt3A_774, %get3A_770, %select_n3A_763 : vector<16xi1>, vector<16xf32>
      %select_n3A_776 = arith.select %gt3A_774, %broadcast_in_dim3A_772, %select_n3A_764 : vector<16xi1>, vector<16xi32>
      %select_n3A_777 = arith.select %gt3A_773, %select_n3A_765, %select_n3A_775 : vector<16xi1>, vector<16xf32>
      %select_n3A_778 = arith.select %gt3A_773, %select_n3A_766, %select_n3A_776 : vector<16xi1>, vector<16xi32>
      %select_n3A_779 = arith.select %gt3A_773, %get3A_770, %select_n3A_765 : vector<16xi1>, vector<16xf32>
      %select_n3A_780 = arith.select %gt3A_773, %broadcast_in_dim3A_772, %select_n3A_766 : vector<16xi1>, vector<16xi32>
      %get3A_781 = arith.constant 34 : i32
      %get3A_782 = arith.index_cast %get3A_781 : i32 to index
      %get3A_783 = arith.index_cast %mul3A_49 : i32 to index
      %get3A_784 = tpu.vector_load %arg4[%get3A_782, %get3A_783] {strides = array<i32>} : memref<64x512xf32, #tpu.memory_space<vmem>>, vector<16xf32>,
      %broadcast_in_dim3A_785 = arith.constant 34 : i32
      %broadcast_in_dim3A_786 = vector.broadcast %broadcast_in_dim3A_785 : i32 to vector<16xi32>
      %gt3A_787 = arith.cmpf ogt, %get3A_784, %select_n3A_779 : vector<16xf32>
      %gt3A_788 = arith.cmpf ogt, %get3A_784, %select_n3A_777 : vector<16xf32>
      %select_n3A_789 = arith.select %gt3A_788, %get3A_784, %select_n3A_777 : vector<16xi1>, vector<16xf32>
      %select_n3A_790 = arith.select %gt3A_788, %broadcast_in_dim3A_786, %select_n3A_778 : vector<16xi1>, vector<16xi32>
      %select_n3A_791 = arith.select %gt3A_787, %select_n3A_779, %select_n3A_789 : vector<16xi1>, vector<16xf32>
      %select_n3A_792 = arith.select %gt3A_787, %select_n3A_780, %select_n3A_790 : vector<16xi1>, vector<16xi32>
      %select_n3A_793 = arith.select %gt3A_787, %get3A_784, %select_n3A_779 : vector<16xi1>, vector<16xf32>
      %select_n3A_794 = arith.select %gt3A_787, %broadcast_in_dim3A_786, %select_n3A_780 : vector<16xi1>, vector<16xi32>
      %get3A_795 = arith.constant 35 : i32
      %get3A_796 = arith.index_cast %get3A_795 : i32 to index
      %get3A_797 = arith.index_cast %mul3A_49 : i32 to index
      %get3A_798 = tpu.vector_load %arg4[%get3A_796, %get3A_797] {strides = array<i32>} : memref<64x512xf32, #tpu.memory_space<vmem>>, vector<16xf32>,
      %broadcast_in_dim3A_799 = arith.constant 35 : i32
      %broadcast_in_dim3A_800 = vector.broadcast %broadcast_in_dim3A_799 : i32 to vector<16xi32>
      %gt3A_801 = arith.cmpf ogt, %get3A_798, %select_n3A_793 : vector<16xf32>
      %gt3A_802 = arith.cmpf ogt, %get3A_798, %select_n3A_791 : vector<16xf32>
      %select_n3A_803 = arith.select %gt3A_802, %get3A_798, %select_n3A_791 : vector<16xi1>, vector<16xf32>
      %select_n3A_804 = arith.select %gt3A_802, %broadcast_in_dim3A_800, %select_n3A_792 : vector<16xi1>, vector<16xi32>
      %select_n3A_805 = arith.select %gt3A_801, %select_n3A_793, %select_n3A_803 : vector<16xi1>, vector<16xf32>
      %select_n3A_806 = arith.select %gt3A_801, %select_n3A_794, %select_n3A_804 : vector<16xi1>, vector<16xi32>
      %select_n3A_807 = arith.select %gt3A_801, %get3A_798, %select_n3A_793 : vector<16xi1>, vector<16xf32>
      %select_n3A_808 = arith.select %gt3A_801, %broadcast_in_dim3A_800, %select_n3A_794 : vector<16xi1>, vector<16xi32>
      %get3A_809 = arith.constant 36 : i32
      %get3A_810 = arith.index_cast %get3A_809 : i32 to index
      %get3A_811 = arith.index_cast %mul3A_49 : i32 to index
      %get3A_812 = tpu.vector_load %arg4[%get3A_810, %get3A_811] {strides = array<i32>} : memref<64x512xf32, #tpu.memory_space<vmem>>, vector<16xf32>,
      %broadcast_in_dim3A_813 = arith.constant 36 : i32
      %broadcast_in_dim3A_814 = vector.broadcast %broadcast_in_dim3A_813 : i32 to vector<16xi32>
      %gt3A_815 = arith.cmpf ogt, %get3A_812, %select_n3A_807 : vector<16xf32>
      %gt3A_816 = arith.cmpf ogt, %get3A_812, %select_n3A_805 : vector<16xf32>
      %select_n3A_817 = arith.select %gt3A_816, %get3A_812, %select_n3A_805 : vector<16xi1>, vector<16xf32>
      %select_n3A_818 = arith.select %gt3A_816, %broadcast_in_dim3A_814, %select_n3A_806 : vector<16xi1>, vector<16xi32>
      %select_n3A_819 = arith.select %gt3A_815, %select_n3A_807, %select_n3A_817 : vector<16xi1>, vector<16xf32>
      %select_n3A_820 = arith.select %gt3A_815, %select_n3A_808, %select_n3A_818 : vector<16xi1>, vector<16xi32>
      %select_n3A_821 = arith.select %gt3A_815, %get3A_812, %select_n3A_807 : vector<16xi1>, vector<16xf32>
      %select_n3A_822 = arith.select %gt3A_815, %broadcast_in_dim3A_814, %select_n3A_808 : vector<16xi1>, vector<16xi32>
      %get3A_823 = arith.constant 37 : i32
      %get3A_824 = arith.index_cast %get3A_823 : i32 to index
      %get3A_825 = arith.index_cast %mul3A_49 : i32 to index
      %get3A_826 = tpu.vector_load %arg4[%get3A_824, %get3A_825] {strides = array<i32>} : memref<64x512xf32, #tpu.memory_space<vmem>>, vector<16xf32>,
      %broadcast_in_dim3A_827 = arith.constant 37 : i32
      %broadcast_in_dim3A_828 = vector.broadcast %broadcast_in_dim3A_827 : i32 to vector<16xi32>
      %gt3A_829 = arith.cmpf ogt, %get3A_826, %select_n3A_821 : vector<16xf32>
      %gt3A_830 = arith.cmpf ogt, %get3A_826, %select_n3A_819 : vector<16xf32>
      %select_n3A_831 = arith.select %gt3A_830, %get3A_826, %select_n3A_819 : vector<16xi1>, vector<16xf32>
      %select_n3A_832 = arith.select %gt3A_830, %broadcast_in_dim3A_828, %select_n3A_820 : vector<16xi1>, vector<16xi32>
      %select_n3A_833 = arith.select %gt3A_829, %select_n3A_821, %select_n3A_831 : vector<16xi1>, vector<16xf32>
      %select_n3A_834 = arith.select %gt3A_829, %select_n3A_822, %select_n3A_832 : vector<16xi1>, vector<16xi32>
      %select_n3A_835 = arith.select %gt3A_829, %get3A_826, %select_n3A_821 : vector<16xi1>, vector<16xf32>
      %select_n3A_836 = arith.select %gt3A_829, %broadcast_in_dim3A_828, %select_n3A_822 : vector<16xi1>, vector<16xi32>
      %get3A_837 = arith.constant 38 : i32
      %get3A_838 = arith.index_cast %get3A_837 : i32 to index
      %get3A_839 = arith.index_cast %mul3A_49 : i32 to index
      %get3A_840 = tpu.vector_load %arg4[%get3A_838, %get3A_839] {strides = array<i32>} : memref<64x512xf32, #tpu.memory_space<vmem>>, vector<16xf32>,
      %broadcast_in_dim3A_841 = arith.constant 38 : i32
      %broadcast_in_dim3A_842 = vector.broadcast %broadcast_in_dim3A_841 : i32 to vector<16xi32>
      %gt3A_843 = arith.cmpf ogt, %get3A_840, %select_n3A_835 : vector<16xf32>
      %gt3A_844 = arith.cmpf ogt, %get3A_840, %select_n3A_833 : vector<16xf32>
      %select_n3A_845 = arith.select %gt3A_844, %get3A_840, %select_n3A_833 : vector<16xi1>, vector<16xf32>
      %select_n3A_846 = arith.select %gt3A_844, %broadcast_in_dim3A_842, %select_n3A_834 : vector<16xi1>, vector<16xi32>
      %select_n3A_847 = arith.select %gt3A_843, %select_n3A_835, %select_n3A_845 : vector<16xi1>, vector<16xf32>
      %select_n3A_848 = arith.select %gt3A_843, %select_n3A_836, %select_n3A_846 : vector<16xi1>, vector<16xi32>
      %select_n3A_849 = arith.select %gt3A_843, %get3A_840, %select_n3A_835 : vector<16xi1>, vector<16xf32>
      %select_n3A_850 = arith.select %gt3A_843, %broadcast_in_dim3A_842, %select_n3A_836 : vector<16xi1>, vector<16xi32>
      %get3A_851 = arith.constant 39 : i32
      %get3A_852 = arith.index_cast %get3A_851 : i32 to index
      %get3A_853 = arith.index_cast %mul3A_49 : i32 to index
      %get3A_854 = tpu.vector_load %arg4[%get3A_852, %get3A_853] {strides = array<i32>} : memref<64x512xf32, #tpu.memory_space<vmem>>, vector<16xf32>,
      %broadcast_in_dim3A_855 = arith.constant 39 : i32
      %broadcast_in_dim3A_856 = vector.broadcast %broadcast_in_dim3A_855 : i32 to vector<16xi32>
      %gt3A_857 = arith.cmpf ogt, %get3A_854, %select_n3A_849 : vector<16xf32>
      %gt3A_858 = arith.cmpf ogt, %get3A_854, %select_n3A_847 : vector<16xf32>
      %select_n3A_859 = arith.select %gt3A_858, %get3A_854, %select_n3A_847 : vector<16xi1>, vector<16xf32>
      %select_n3A_860 = arith.select %gt3A_858, %broadcast_in_dim3A_856, %select_n3A_848 : vector<16xi1>, vector<16xi32>
      %select_n3A_861 = arith.select %gt3A_857, %select_n3A_849, %select_n3A_859 : vector<16xi1>, vector<16xf32>
      %select_n3A_862 = arith.select %gt3A_857, %select_n3A_850, %select_n3A_860 : vector<16xi1>, vector<16xi32>
      %select_n3A_863 = arith.select %gt3A_857, %get3A_854, %select_n3A_849 : vector<16xi1>, vector<16xf32>
      %select_n3A_864 = arith.select %gt3A_857, %broadcast_in_dim3A_856, %select_n3A_850 : vector<16xi1>, vector<16xi32>
      %get3A_865 = arith.constant 40 : i32
      %get3A_866 = arith.index_cast %get3A_865 : i32 to index
      %get3A_867 = arith.index_cast %mul3A_49 : i32 to index
      %get3A_868 = tpu.vector_load %arg4[%get3A_866, %get3A_867] {strides = array<i32>} : memref<64x512xf32, #tpu.memory_space<vmem>>, vector<16xf32>,
      %broadcast_in_dim3A_869 = arith.constant 40 : i32
      %broadcast_in_dim3A_870 = vector.broadcast %broadcast_in_dim3A_869 : i32 to vector<16xi32>
      %gt3A_871 = arith.cmpf ogt, %get3A_868, %select_n3A_863 : vector<16xf32>
      %gt3A_872 = arith.cmpf ogt, %get3A_868, %select_n3A_861 : vector<16xf32>
      %select_n3A_873 = arith.select %gt3A_872, %get3A_868, %select_n3A_861 : vector<16xi1>, vector<16xf32>
      %select_n3A_874 = arith.select %gt3A_872, %broadcast_in_dim3A_870, %select_n3A_862 : vector<16xi1>, vector<16xi32>
      %select_n3A_875 = arith.select %gt3A_871, %select_n3A_863, %select_n3A_873 : vector<16xi1>, vector<16xf32>
      %select_n3A_876 = arith.select %gt3A_871, %select_n3A_864, %select_n3A_874 : vector<16xi1>, vector<16xi32>
      %select_n3A_877 = arith.select %gt3A_871, %get3A_868, %select_n3A_863 : vector<16xi1>, vector<16xf32>
      %select_n3A_878 = arith.select %gt3A_871, %broadcast_in_dim3A_870, %select_n3A_864 : vector<16xi1>, vector<16xi32>
      %get3A_879 = arith.constant 41 : i32
      %get3A_880 = arith.index_cast %get3A_879 : i32 to index
      %get3A_881 = arith.index_cast %mul3A_49 : i32 to index
      %get3A_882 = tpu.vector_load %arg4[%get3A_880, %get3A_881] {strides = array<i32>} : memref<64x512xf32, #tpu.memory_space<vmem>>, vector<16xf32>,
      %broadcast_in_dim3A_883 = arith.constant 41 : i32
      %broadcast_in_dim3A_884 = vector.broadcast %broadcast_in_dim3A_883 : i32 to vector<16xi32>
      %gt3A_885 = arith.cmpf ogt, %get3A_882, %select_n3A_877 : vector<16xf32>
      %gt3A_886 = arith.cmpf ogt, %get3A_882, %select_n3A_875 : vector<16xf32>
      %select_n3A_887 = arith.select %gt3A_886, %get3A_882, %select_n3A_875 : vector<16xi1>, vector<16xf32>
      %select_n3A_888 = arith.select %gt3A_886, %broadcast_in_dim3A_884, %select_n3A_876 : vector<16xi1>, vector<16xi32>
      %select_n3A_889 = arith.select %gt3A_885, %select_n3A_877, %select_n3A_887 : vector<16xi1>, vector<16xf32>
      %select_n3A_890 = arith.select %gt3A_885, %select_n3A_878, %select_n3A_888 : vector<16xi1>, vector<16xi32>
      %select_n3A_891 = arith.select %gt3A_885, %get3A_882, %select_n3A_877 : vector<16xi1>, vector<16xf32>
      %select_n3A_892 = arith.select %gt3A_885, %broadcast_in_dim3A_884, %select_n3A_878 : vector<16xi1>, vector<16xi32>
      %get3A_893 = arith.constant 42 : i32
      %get3A_894 = arith.index_cast %get3A_893 : i32 to index
      %get3A_895 = arith.index_cast %mul3A_49 : i32 to index
      %get3A_896 = tpu.vector_load %arg4[%get3A_894, %get3A_895] {strides = array<i32>} : memref<64x512xf32, #tpu.memory_space<vmem>>, vector<16xf32>,
      %broadcast_in_dim3A_897 = arith.constant 42 : i32
      %broadcast_in_dim3A_898 = vector.broadcast %broadcast_in_dim3A_897 : i32 to vector<16xi32>
      %gt3A_899 = arith.cmpf ogt, %get3A_896, %select_n3A_891 : vector<16xf32>
      %gt3A_900 = arith.cmpf ogt, %get3A_896, %select_n3A_889 : vector<16xf32>
      %select_n3A_901 = arith.select %gt3A_900, %get3A_896, %select_n3A_889 : vector<16xi1>, vector<16xf32>
      %select_n3A_902 = arith.select %gt3A_900, %broadcast_in_dim3A_898, %select_n3A_890 : vector<16xi1>, vector<16xi32>
      %select_n3A_903 = arith.select %gt3A_899, %select_n3A_891, %select_n3A_901 : vector<16xi1>, vector<16xf32>
      %select_n3A_904 = arith.select %gt3A_899, %select_n3A_892, %select_n3A_902 : vector<16xi1>, vector<16xi32>
      %select_n3A_905 = arith.select %gt3A_899, %get3A_896, %select_n3A_891 : vector<16xi1>, vector<16xf32>
      %select_n3A_906 = arith.select %gt3A_899, %broadcast_in_dim3A_898, %select_n3A_892 : vector<16xi1>, vector<16xi32>
      %get3A_907 = arith.constant 43 : i32
      %get3A_908 = arith.index_cast %get3A_907 : i32 to index
      %get3A_909 = arith.index_cast %mul3A_49 : i32 to index
      %get3A_910 = tpu.vector_load %arg4[%get3A_908, %get3A_909] {strides = array<i32>} : memref<64x512xf32, #tpu.memory_space<vmem>>, vector<16xf32>,
      %broadcast_in_dim3A_911 = arith.constant 43 : i32
      %broadcast_in_dim3A_912 = vector.broadcast %broadcast_in_dim3A_911 : i32 to vector<16xi32>
      %gt3A_913 = arith.cmpf ogt, %get3A_910, %select_n3A_905 : vector<16xf32>
      %gt3A_914 = arith.cmpf ogt, %get3A_910, %select_n3A_903 : vector<16xf32>
      %select_n3A_915 = arith.select %gt3A_914, %get3A_910, %select_n3A_903 : vector<16xi1>, vector<16xf32>
      %select_n3A_916 = arith.select %gt3A_914, %broadcast_in_dim3A_912, %select_n3A_904 : vector<16xi1>, vector<16xi32>
      %select_n3A_917 = arith.select %gt3A_913, %select_n3A_905, %select_n3A_915 : vector<16xi1>, vector<16xf32>
      %select_n3A_918 = arith.select %gt3A_913, %select_n3A_906, %select_n3A_916 : vector<16xi1>, vector<16xi32>
      %select_n3A_919 = arith.select %gt3A_913, %get3A_910, %select_n3A_905 : vector<16xi1>, vector<16xf32>
      %select_n3A_920 = arith.select %gt3A_913, %broadcast_in_dim3A_912, %select_n3A_906 : vector<16xi1>, vector<16xi32>
      %get3A_921 = arith.constant 44 : i32
      %get3A_922 = arith.index_cast %get3A_921 : i32 to index
      %get3A_923 = arith.index_cast %mul3A_49 : i32 to index
      %get3A_924 = tpu.vector_load %arg4[%get3A_922, %get3A_923] {strides = array<i32>} : memref<64x512xf32, #tpu.memory_space<vmem>>, vector<16xf32>,
      %broadcast_in_dim3A_925 = arith.constant 44 : i32
      %broadcast_in_dim3A_926 = vector.broadcast %broadcast_in_dim3A_925 : i32 to vector<16xi32>
      %gt3A_927 = arith.cmpf ogt, %get3A_924, %select_n3A_919 : vector<16xf32>
      %gt3A_928 = arith.cmpf ogt, %get3A_924, %select_n3A_917 : vector<16xf32>
      %select_n3A_929 = arith.select %gt3A_928, %get3A_924, %select_n3A_917 : vector<16xi1>, vector<16xf32>
      %select_n3A_930 = arith.select %gt3A_928, %broadcast_in_dim3A_926, %select_n3A_918 : vector<16xi1>, vector<16xi32>
      %select_n3A_931 = arith.select %gt3A_927, %select_n3A_919, %select_n3A_929 : vector<16xi1>, vector<16xf32>
      %select_n3A_932 = arith.select %gt3A_927, %select_n3A_920, %select_n3A_930 : vector<16xi1>, vector<16xi32>
      %select_n3A_933 = arith.select %gt3A_927, %get3A_924, %select_n3A_919 : vector<16xi1>, vector<16xf32>
      %select_n3A_934 = arith.select %gt3A_927, %broadcast_in_dim3A_926, %select_n3A_920 : vector<16xi1>, vector<16xi32>
      %get3A_935 = arith.constant 45 : i32
      %get3A_936 = arith.index_cast %get3A_935 : i32 to index
      %get3A_937 = arith.index_cast %mul3A_49 : i32 to index
      %get3A_938 = tpu.vector_load %arg4[%get3A_936, %get3A_937] {strides = array<i32>} : memref<64x512xf32, #tpu.memory_space<vmem>>, vector<16xf32>,
      %broadcast_in_dim3A_939 = arith.constant 45 : i32
      %broadcast_in_dim3A_940 = vector.broadcast %broadcast_in_dim3A_939 : i32 to vector<16xi32>
      %gt3A_941 = arith.cmpf ogt, %get3A_938, %select_n3A_933 : vector<16xf32>
      %gt3A_942 = arith.cmpf ogt, %get3A_938, %select_n3A_931 : vector<16xf32>
      %select_n3A_943 = arith.select %gt3A_942, %get3A_938, %select_n3A_931 : vector<16xi1>, vector<16xf32>
      %select_n3A_944 = arith.select %gt3A_942, %broadcast_in_dim3A_940, %select_n3A_932 : vector<16xi1>, vector<16xi32>
      %select_n3A_945 = arith.select %gt3A_941, %select_n3A_933, %select_n3A_943 : vector<16xi1>, vector<16xf32>
      %select_n3A_946 = arith.select %gt3A_941, %select_n3A_934, %select_n3A_944 : vector<16xi1>, vector<16xi32>
      %select_n3A_947 = arith.select %gt3A_941, %get3A_938, %select_n3A_933 : vector<16xi1>, vector<16xf32>
      %select_n3A_948 = arith.select %gt3A_941, %broadcast_in_dim3A_940, %select_n3A_934 : vector<16xi1>, vector<16xi32>
      %get3A_949 = arith.constant 46 : i32
      %get3A_950 = arith.index_cast %get3A_949 : i32 to index
      %get3A_951 = arith.index_cast %mul3A_49 : i32 to index
      %get3A_952 = tpu.vector_load %arg4[%get3A_950, %get3A_951] {strides = array<i32>} : memref<64x512xf32, #tpu.memory_space<vmem>>, vector<16xf32>,
      %broadcast_in_dim3A_953 = arith.constant 46 : i32
      %broadcast_in_dim3A_954 = vector.broadcast %broadcast_in_dim3A_953 : i32 to vector<16xi32>
      %gt3A_955 = arith.cmpf ogt, %get3A_952, %select_n3A_947 : vector<16xf32>
      %gt3A_956 = arith.cmpf ogt, %get3A_952, %select_n3A_945 : vector<16xf32>
      %select_n3A_957 = arith.select %gt3A_956, %get3A_952, %select_n3A_945 : vector<16xi1>, vector<16xf32>
      %select_n3A_958 = arith.select %gt3A_956, %broadcast_in_dim3A_954, %select_n3A_946 : vector<16xi1>, vector<16xi32>
      %select_n3A_959 = arith.select %gt3A_955, %select_n3A_947, %select_n3A_957 : vector<16xi1>, vector<16xf32>
      %select_n3A_960 = arith.select %gt3A_955, %select_n3A_948, %select_n3A_958 : vector<16xi1>, vector<16xi32>
      %select_n3A_961 = arith.select %gt3A_955, %get3A_952, %select_n3A_947 : vector<16xi1>, vector<16xf32>
      %select_n3A_962 = arith.select %gt3A_955, %broadcast_in_dim3A_954, %select_n3A_948 : vector<16xi1>, vector<16xi32>
      %get3A_963 = arith.constant 47 : i32
      %get3A_964 = arith.index_cast %get3A_963 : i32 to index
      %get3A_965 = arith.index_cast %mul3A_49 : i32 to index
      %get3A_966 = tpu.vector_load %arg4[%get3A_964, %get3A_965] {strides = array<i32>} : memref<64x512xf32, #tpu.memory_space<vmem>>, vector<16xf32>,
      %broadcast_in_dim3A_967 = arith.constant 47 : i32
      %broadcast_in_dim3A_968 = vector.broadcast %broadcast_in_dim3A_967 : i32 to vector<16xi32>
      %gt3A_969 = arith.cmpf ogt, %get3A_966, %select_n3A_961 : vector<16xf32>
      %gt3A_970 = arith.cmpf ogt, %get3A_966, %select_n3A_959 : vector<16xf32>
      %select_n3A_971 = arith.select %gt3A_970, %get3A_966, %select_n3A_959 : vector<16xi1>, vector<16xf32>
      %select_n3A_972 = arith.select %gt3A_970, %broadcast_in_dim3A_968, %select_n3A_960 : vector<16xi1>, vector<16xi32>
      %select_n3A_973 = arith.select %gt3A_969, %select_n3A_961, %select_n3A_971 : vector<16xi1>, vector<16xf32>
      %select_n3A_974 = arith.select %gt3A_969, %select_n3A_962, %select_n3A_972 : vector<16xi1>, vector<16xi32>
      %select_n3A_975 = arith.select %gt3A_969, %get3A_966, %select_n3A_961 : vector<16xi1>, vector<16xf32>
      %select_n3A_976 = arith.select %gt3A_969, %broadcast_in_dim3A_968, %select_n3A_962 : vector<16xi1>, vector<16xi32>
      %get3A_977 = arith.constant 48 : i32
      %get3A_978 = arith.index_cast %get3A_977 : i32 to index
      %get3A_979 = arith.index_cast %mul3A_49 : i32 to index
      %get3A_980 = tpu.vector_load %arg4[%get3A_978, %get3A_979] {strides = array<i32>} : memref<64x512xf32, #tpu.memory_space<vmem>>, vector<16xf32>,
      %broadcast_in_dim3A_981 = arith.constant 48 : i32
      %broadcast_in_dim3A_982 = vector.broadcast %broadcast_in_dim3A_981 : i32 to vector<16xi32>
      %gt3A_983 = arith.cmpf ogt, %get3A_980, %broadcast_in_dim3A_33 : vector<16xf32>
      %gt3A_984 = arith.cmpf ogt, %get3A_980, %broadcast_in_dim3A_33 : vector<16xf32>
      %select_n3A_985 = arith.select %gt3A_984, %get3A_980, %broadcast_in_dim3A_33 : vector<16xi1>, vector<16xf32>
      %select_n3A_986 = arith.select %gt3A_984, %broadcast_in_dim3A_982, %broadcast_in_dim3A_37 : vector<16xi1>, vector<16xi32>
      %select_n3A_987 = arith.select %gt3A_983, %broadcast_in_dim3A_33, %select_n3A_985 : vector<16xi1>, vector<16xf32>
      %select_n3A_988 = arith.select %gt3A_983, %broadcast_in_dim3A_37, %select_n3A_986 : vector<16xi1>, vector<16xi32>
      %select_n3A_989 = arith.select %gt3A_983, %get3A_980, %broadcast_in_dim3A_33 : vector<16xi1>, vector<16xf32>
      %select_n3A_990 = arith.select %gt3A_983, %broadcast_in_dim3A_982, %broadcast_in_dim3A_37 : vector<16xi1>, vector<16xi32>
      %get3A_991 = arith.constant 49 : i32
      %get3A_992 = arith.index_cast %get3A_991 : i32 to index
      %get3A_993 = arith.index_cast %mul3A_49 : i32 to index
      %get3A_994 = tpu.vector_load %arg4[%get3A_992, %get3A_993] {strides = array<i32>} : memref<64x512xf32, #tpu.memory_space<vmem>>, vector<16xf32>,
      %broadcast_in_dim3A_995 = arith.constant 49 : i32
      %broadcast_in_dim3A_996 = vector.broadcast %broadcast_in_dim3A_995 : i32 to vector<16xi32>
      %gt3A_997 = arith.cmpf ogt, %get3A_994, %select_n3A_989 : vector<16xf32>
      %gt3A_998 = arith.cmpf ogt, %get3A_994, %select_n3A_987 : vector<16xf32>
      %select_n3A_999 = arith.select %gt3A_998, %get3A_994, %select_n3A_987 : vector<16xi1>, vector<16xf32>
      %select_n3A_1000 = arith.select %gt3A_998, %broadcast_in_dim3A_996, %select_n3A_988 : vector<16xi1>, vector<16xi32>
      %select_n3A_1001 = arith.select %gt3A_997, %select_n3A_989, %select_n3A_999 : vector<16xi1>, vector<16xf32>
      %select_n3A_1002 = arith.select %gt3A_997, %select_n3A_990, %select_n3A_1000 : vector<16xi1>, vector<16xi32>
      %select_n3A_1003 = arith.select %gt3A_997, %get3A_994, %select_n3A_989 : vector<16xi1>, vector<16xf32>
      %select_n3A_1004 = arith.select %gt3A_997, %broadcast_in_dim3A_996, %select_n3A_990 : vector<16xi1>, vector<16xi32>
      %get3A_1005 = arith.constant 50 : i32
      %get3A_1006 = arith.index_cast %get3A_1005 : i32 to index
      %get3A_1007 = arith.index_cast %mul3A_49 : i32 to index
      %get3A_1008 = tpu.vector_load %arg4[%get3A_1006, %get3A_1007] {strides = array<i32>} : memref<64x512xf32, #tpu.memory_space<vmem>>, vector<16xf32>,
      %broadcast_in_dim3A_1009 = arith.constant 50 : i32
      %broadcast_in_dim3A_1010 = vector.broadcast %broadcast_in_dim3A_1009 : i32 to vector<16xi32>
      %gt3A_1011 = arith.cmpf ogt, %get3A_1008, %select_n3A_1003 : vector<16xf32>
      %gt3A_1012 = arith.cmpf ogt, %get3A_1008, %select_n3A_1001 : vector<16xf32>
      %select_n3A_1013 = arith.select %gt3A_1012, %get3A_1008, %select_n3A_1001 : vector<16xi1>, vector<16xf32>
      %select_n3A_1014 = arith.select %gt3A_1012, %broadcast_in_dim3A_1010, %select_n3A_1002 : vector<16xi1>, vector<16xi32>
      %select_n3A_1015 = arith.select %gt3A_1011, %select_n3A_1003, %select_n3A_1013 : vector<16xi1>, vector<16xf32>
      %select_n3A_1016 = arith.select %gt3A_1011, %select_n3A_1004, %select_n3A_1014 : vector<16xi1>, vector<16xi32>
      %select_n3A_1017 = arith.select %gt3A_1011, %get3A_1008, %select_n3A_1003 : vector<16xi1>, vector<16xf32>
      %select_n3A_1018 = arith.select %gt3A_1011, %broadcast_in_dim3A_1010, %select_n3A_1004 : vector<16xi1>, vector<16xi32>
      %get3A_1019 = arith.constant 51 : i32
      %get3A_1020 = arith.index_cast %get3A_1019 : i32 to index
      %get3A_1021 = arith.index_cast %mul3A_49 : i32 to index
      %get3A_1022 = tpu.vector_load %arg4[%get3A_1020, %get3A_1021] {strides = array<i32>} : memref<64x512xf32, #tpu.memory_space<vmem>>, vector<16xf32>,
      %broadcast_in_dim3A_1023 = arith.constant 51 : i32
      %broadcast_in_dim3A_1024 = vector.broadcast %broadcast_in_dim3A_1023 : i32 to vector<16xi32>
      %gt3A_1025 = arith.cmpf ogt, %get3A_1022, %select_n3A_1017 : vector<16xf32>
      %gt3A_1026 = arith.cmpf ogt, %get3A_1022, %select_n3A_1015 : vector<16xf32>
      %select_n3A_1027 = arith.select %gt3A_1026, %get3A_1022, %select_n3A_1015 : vector<16xi1>, vector<16xf32>
      %select_n3A_1028 = arith.select %gt3A_1026, %broadcast_in_dim3A_1024, %select_n3A_1016 : vector<16xi1>, vector<16xi32>
      %select_n3A_1029 = arith.select %gt3A_1025, %select_n3A_1017, %select_n3A_1027 : vector<16xi1>, vector<16xf32>
      %select_n3A_1030 = arith.select %gt3A_1025, %select_n3A_1018, %select_n3A_1028 : vector<16xi1>, vector<16xi32>
      %select_n3A_1031 = arith.select %gt3A_1025, %get3A_1022, %select_n3A_1017 : vector<16xi1>, vector<16xf32>
      %select_n3A_1032 = arith.select %gt3A_1025, %broadcast_in_dim3A_1024, %select_n3A_1018 : vector<16xi1>, vector<16xi32>
      %get3A_1033 = arith.constant 52 : i32
      %get3A_1034 = arith.index_cast %get3A_1033 : i32 to index
      %get3A_1035 = arith.index_cast %mul3A_49 : i32 to index
      %get3A_1036 = tpu.vector_load %arg4[%get3A_1034, %get3A_1035] {strides = array<i32>} : memref<64x512xf32, #tpu.memory_space<vmem>>, vector<16xf32>,
      %broadcast_in_dim3A_1037 = arith.constant 52 : i32
      %broadcast_in_dim3A_1038 = vector.broadcast %broadcast_in_dim3A_1037 : i32 to vector<16xi32>
      %gt3A_1039 = arith.cmpf ogt, %get3A_1036, %select_n3A_1031 : vector<16xf32>
      %gt3A_1040 = arith.cmpf ogt, %get3A_1036, %select_n3A_1029 : vector<16xf32>
      %select_n3A_1041 = arith.select %gt3A_1040, %get3A_1036, %select_n3A_1029 : vector<16xi1>, vector<16xf32>
      %select_n3A_1042 = arith.select %gt3A_1040, %broadcast_in_dim3A_1038, %select_n3A_1030 : vector<16xi1>, vector<16xi32>
      %select_n3A_1043 = arith.select %gt3A_1039, %select_n3A_1031, %select_n3A_1041 : vector<16xi1>, vector<16xf32>
      %select_n3A_1044 = arith.select %gt3A_1039, %select_n3A_1032, %select_n3A_1042 : vector<16xi1>, vector<16xi32>
      %select_n3A_1045 = arith.select %gt3A_1039, %get3A_1036, %select_n3A_1031 : vector<16xi1>, vector<16xf32>
      %select_n3A_1046 = arith.select %gt3A_1039, %broadcast_in_dim3A_1038, %select_n3A_1032 : vector<16xi1>, vector<16xi32>
      %get3A_1047 = arith.constant 53 : i32
      %get3A_1048 = arith.index_cast %get3A_1047 : i32 to index
      %get3A_1049 = arith.index_cast %mul3A_49 : i32 to index
      %get3A_1050 = tpu.vector_load %arg4[%get3A_1048, %get3A_1049] {strides = array<i32>} : memref<64x512xf32, #tpu.memory_space<vmem>>, vector<16xf32>,
      %broadcast_in_dim3A_1051 = arith.constant 53 : i32
      %broadcast_in_dim3A_1052 = vector.broadcast %broadcast_in_dim3A_1051 : i32 to vector<16xi32>
      %gt3A_1053 = arith.cmpf ogt, %get3A_1050, %select_n3A_1045 : vector<16xf32>
      %gt3A_1054 = arith.cmpf ogt, %get3A_1050, %select_n3A_1043 : vector<16xf32>
      %select_n3A_1055 = arith.select %gt3A_1054, %get3A_1050, %select_n3A_1043 : vector<16xi1>, vector<16xf32>
      %select_n3A_1056 = arith.select %gt3A_1054, %broadcast_in_dim3A_1052, %select_n3A_1044 : vector<16xi1>, vector<16xi32>
      %select_n3A_1057 = arith.select %gt3A_1053, %select_n3A_1045, %select_n3A_1055 : vector<16xi1>, vector<16xf32>
      %select_n3A_1058 = arith.select %gt3A_1053, %select_n3A_1046, %select_n3A_1056 : vector<16xi1>, vector<16xi32>
      %select_n3A_1059 = arith.select %gt3A_1053, %get3A_1050, %select_n3A_1045 : vector<16xi1>, vector<16xf32>
      %select_n3A_1060 = arith.select %gt3A_1053, %broadcast_in_dim3A_1052, %select_n3A_1046 : vector<16xi1>, vector<16xi32>
      %get3A_1061 = arith.constant 54 : i32
      %get3A_1062 = arith.index_cast %get3A_1061 : i32 to index
      %get3A_1063 = arith.index_cast %mul3A_49 : i32 to index
      %get3A_1064 = tpu.vector_load %arg4[%get3A_1062, %get3A_1063] {strides = array<i32>} : memref<64x512xf32, #tpu.memory_space<vmem>>, vector<16xf32>,
      %broadcast_in_dim3A_1065 = arith.constant 54 : i32
      %broadcast_in_dim3A_1066 = vector.broadcast %broadcast_in_dim3A_1065 : i32 to vector<16xi32>
      %gt3A_1067 = arith.cmpf ogt, %get3A_1064, %select_n3A_1059 : vector<16xf32>
      %gt3A_1068 = arith.cmpf ogt, %get3A_1064, %select_n3A_1057 : vector<16xf32>
      %select_n3A_1069 = arith.select %gt3A_1068, %get3A_1064, %select_n3A_1057 : vector<16xi1>, vector<16xf32>
      %select_n3A_1070 = arith.select %gt3A_1068, %broadcast_in_dim3A_1066, %select_n3A_1058 : vector<16xi1>, vector<16xi32>
      %select_n3A_1071 = arith.select %gt3A_1067, %select_n3A_1059, %select_n3A_1069 : vector<16xi1>, vector<16xf32>
      %select_n3A_1072 = arith.select %gt3A_1067, %select_n3A_1060, %select_n3A_1070 : vector<16xi1>, vector<16xi32>
      %select_n3A_1073 = arith.select %gt3A_1067, %get3A_1064, %select_n3A_1059 : vector<16xi1>, vector<16xf32>
      %select_n3A_1074 = arith.select %gt3A_1067, %broadcast_in_dim3A_1066, %select_n3A_1060 : vector<16xi1>, vector<16xi32>
      %get3A_1075 = arith.constant 55 : i32
      %get3A_1076 = arith.index_cast %get3A_1075 : i32 to index
      %get3A_1077 = arith.index_cast %mul3A_49 : i32 to index
      %get3A_1078 = tpu.vector_load %arg4[%get3A_1076, %get3A_1077] {strides = array<i32>} : memref<64x512xf32, #tpu.memory_space<vmem>>, vector<16xf32>,
      %broadcast_in_dim3A_1079 = arith.constant 55 : i32
      %broadcast_in_dim3A_1080 = vector.broadcast %broadcast_in_dim3A_1079 : i32 to vector<16xi32>
      %gt3A_1081 = arith.cmpf ogt, %get3A_1078, %select_n3A_1073 : vector<16xf32>
      %gt3A_1082 = arith.cmpf ogt, %get3A_1078, %select_n3A_1071 : vector<16xf32>
      %select_n3A_1083 = arith.select %gt3A_1082, %get3A_1078, %select_n3A_1071 : vector<16xi1>, vector<16xf32>
      %select_n3A_1084 = arith.select %gt3A_1082, %broadcast_in_dim3A_1080, %select_n3A_1072 : vector<16xi1>, vector<16xi32>
      %select_n3A_1085 = arith.select %gt3A_1081, %select_n3A_1073, %select_n3A_1083 : vector<16xi1>, vector<16xf32>
      %select_n3A_1086 = arith.select %gt3A_1081, %select_n3A_1074, %select_n3A_1084 : vector<16xi1>, vector<16xi32>
      %select_n3A_1087 = arith.select %gt3A_1081, %get3A_1078, %select_n3A_1073 : vector<16xi1>, vector<16xf32>
      %select_n3A_1088 = arith.select %gt3A_1081, %broadcast_in_dim3A_1080, %select_n3A_1074 : vector<16xi1>, vector<16xi32>
      %get3A_1089 = arith.constant 56 : i32
      %get3A_1090 = arith.index_cast %get3A_1089 : i32 to index
      %get3A_1091 = arith.index_cast %mul3A_49 : i32 to index
      %get3A_1092 = tpu.vector_load %arg4[%get3A_1090, %get3A_1091] {strides = array<i32>} : memref<64x512xf32, #tpu.memory_space<vmem>>, vector<16xf32>,
      %broadcast_in_dim3A_1093 = arith.constant 56 : i32
      %broadcast_in_dim3A_1094 = vector.broadcast %broadcast_in_dim3A_1093 : i32 to vector<16xi32>
      %gt3A_1095 = arith.cmpf ogt, %get3A_1092, %select_n3A_1087 : vector<16xf32>
      %gt3A_1096 = arith.cmpf ogt, %get3A_1092, %select_n3A_1085 : vector<16xf32>
      %select_n3A_1097 = arith.select %gt3A_1096, %get3A_1092, %select_n3A_1085 : vector<16xi1>, vector<16xf32>
      %select_n3A_1098 = arith.select %gt3A_1096, %broadcast_in_dim3A_1094, %select_n3A_1086 : vector<16xi1>, vector<16xi32>
      %select_n3A_1099 = arith.select %gt3A_1095, %select_n3A_1087, %select_n3A_1097 : vector<16xi1>, vector<16xf32>
      %select_n3A_1100 = arith.select %gt3A_1095, %select_n3A_1088, %select_n3A_1098 : vector<16xi1>, vector<16xi32>
      %select_n3A_1101 = arith.select %gt3A_1095, %get3A_1092, %select_n3A_1087 : vector<16xi1>, vector<16xf32>
      %select_n3A_1102 = arith.select %gt3A_1095, %broadcast_in_dim3A_1094, %select_n3A_1088 : vector<16xi1>, vector<16xi32>
      %get3A_1103 = arith.constant 57 : i32
      %get3A_1104 = arith.index_cast %get3A_1103 : i32 to index
      %get3A_1105 = arith.index_cast %mul3A_49 : i32 to index
      %get3A_1106 = tpu.vector_load %arg4[%get3A_1104, %get3A_1105] {strides = array<i32>} : memref<64x512xf32, #tpu.memory_space<vmem>>, vector<16xf32>,
      %broadcast_in_dim3A_1107 = arith.constant 57 : i32
      %broadcast_in_dim3A_1108 = vector.broadcast %broadcast_in_dim3A_1107 : i32 to vector<16xi32>
      %gt3A_1109 = arith.cmpf ogt, %get3A_1106, %select_n3A_1101 : vector<16xf32>
      %gt3A_1110 = arith.cmpf ogt, %get3A_1106, %select_n3A_1099 : vector<16xf32>
      %select_n3A_1111 = arith.select %gt3A_1110, %get3A_1106, %select_n3A_1099 : vector<16xi1>, vector<16xf32>
      %select_n3A_1112 = arith.select %gt3A_1110, %broadcast_in_dim3A_1108, %select_n3A_1100 : vector<16xi1>, vector<16xi32>
      %select_n3A_1113 = arith.select %gt3A_1109, %select_n3A_1101, %select_n3A_1111 : vector<16xi1>, vector<16xf32>
      %select_n3A_1114 = arith.select %gt3A_1109, %select_n3A_1102, %select_n3A_1112 : vector<16xi1>, vector<16xi32>
      %select_n3A_1115 = arith.select %gt3A_1109, %get3A_1106, %select_n3A_1101 : vector<16xi1>, vector<16xf32>
      %select_n3A_1116 = arith.select %gt3A_1109, %broadcast_in_dim3A_1108, %select_n3A_1102 : vector<16xi1>, vector<16xi32>
      %get3A_1117 = arith.constant 58 : i32
      %get3A_1118 = arith.index_cast %get3A_1117 : i32 to index
      %get3A_1119 = arith.index_cast %mul3A_49 : i32 to index
      %get3A_1120 = tpu.vector_load %arg4[%get3A_1118, %get3A_1119] {strides = array<i32>} : memref<64x512xf32, #tpu.memory_space<vmem>>, vector<16xf32>,
      %broadcast_in_dim3A_1121 = arith.constant 58 : i32
      %broadcast_in_dim3A_1122 = vector.broadcast %broadcast_in_dim3A_1121 : i32 to vector<16xi32>
      %gt3A_1123 = arith.cmpf ogt, %get3A_1120, %select_n3A_1115 : vector<16xf32>
      %gt3A_1124 = arith.cmpf ogt, %get3A_1120, %select_n3A_1113 : vector<16xf32>
      %select_n3A_1125 = arith.select %gt3A_1124, %get3A_1120, %select_n3A_1113 : vector<16xi1>, vector<16xf32>
      %select_n3A_1126 = arith.select %gt3A_1124, %broadcast_in_dim3A_1122, %select_n3A_1114 : vector<16xi1>, vector<16xi32>
      %select_n3A_1127 = arith.select %gt3A_1123, %select_n3A_1115, %select_n3A_1125 : vector<16xi1>, vector<16xf32>
      %select_n3A_1128 = arith.select %gt3A_1123, %select_n3A_1116, %select_n3A_1126 : vector<16xi1>, vector<16xi32>
      %select_n3A_1129 = arith.select %gt3A_1123, %get3A_1120, %select_n3A_1115 : vector<16xi1>, vector<16xf32>
      %select_n3A_1130 = arith.select %gt3A_1123, %broadcast_in_dim3A_1122, %select_n3A_1116 : vector<16xi1>, vector<16xi32>
      %get3A_1131 = arith.constant 59 : i32
      %get3A_1132 = arith.index_cast %get3A_1131 : i32 to index
      %get3A_1133 = arith.index_cast %mul3A_49 : i32 to index
      %get3A_1134 = tpu.vector_load %arg4[%get3A_1132, %get3A_1133] {strides = array<i32>} : memref<64x512xf32, #tpu.memory_space<vmem>>, vector<16xf32>,
      %broadcast_in_dim3A_1135 = arith.constant 59 : i32
      %broadcast_in_dim3A_1136 = vector.broadcast %broadcast_in_dim3A_1135 : i32 to vector<16xi32>
      %gt3A_1137 = arith.cmpf ogt, %get3A_1134, %select_n3A_1129 : vector<16xf32>
      %gt3A_1138 = arith.cmpf ogt, %get3A_1134, %select_n3A_1127 : vector<16xf32>
      %select_n3A_1139 = arith.select %gt3A_1138, %get3A_1134, %select_n3A_1127 : vector<16xi1>, vector<16xf32>
      %select_n3A_1140 = arith.select %gt3A_1138, %broadcast_in_dim3A_1136, %select_n3A_1128 : vector<16xi1>, vector<16xi32>
      %select_n3A_1141 = arith.select %gt3A_1137, %select_n3A_1129, %select_n3A_1139 : vector<16xi1>, vector<16xf32>
      %select_n3A_1142 = arith.select %gt3A_1137, %select_n3A_1130, %select_n3A_1140 : vector<16xi1>, vector<16xi32>
      %select_n3A_1143 = arith.select %gt3A_1137, %get3A_1134, %select_n3A_1129 : vector<16xi1>, vector<16xf32>
      %select_n3A_1144 = arith.select %gt3A_1137, %broadcast_in_dim3A_1136, %select_n3A_1130 : vector<16xi1>, vector<16xi32>
      %get3A_1145 = arith.constant 60 : i32
      %get3A_1146 = arith.index_cast %get3A_1145 : i32 to index
      %get3A_1147 = arith.index_cast %mul3A_49 : i32 to index
      %get3A_1148 = tpu.vector_load %arg4[%get3A_1146, %get3A_1147] {strides = array<i32>} : memref<64x512xf32, #tpu.memory_space<vmem>>, vector<16xf32>,
      %broadcast_in_dim3A_1149 = arith.constant 60 : i32
      %broadcast_in_dim3A_1150 = vector.broadcast %broadcast_in_dim3A_1149 : i32 to vector<16xi32>
      %gt3A_1151 = arith.cmpf ogt, %get3A_1148, %select_n3A_1143 : vector<16xf32>
      %gt3A_1152 = arith.cmpf ogt, %get3A_1148, %select_n3A_1141 : vector<16xf32>
      %select_n3A_1153 = arith.select %gt3A_1152, %get3A_1148, %select_n3A_1141 : vector<16xi1>, vector<16xf32>
      %select_n3A_1154 = arith.select %gt3A_1152, %broadcast_in_dim3A_1150, %select_n3A_1142 : vector<16xi1>, vector<16xi32>
      %select_n3A_1155 = arith.select %gt3A_1151, %select_n3A_1143, %select_n3A_1153 : vector<16xi1>, vector<16xf32>
      %select_n3A_1156 = arith.select %gt3A_1151, %select_n3A_1144, %select_n3A_1154 : vector<16xi1>, vector<16xi32>
      %select_n3A_1157 = arith.select %gt3A_1151, %get3A_1148, %select_n3A_1143 : vector<16xi1>, vector<16xf32>
      %select_n3A_1158 = arith.select %gt3A_1151, %broadcast_in_dim3A_1150, %select_n3A_1144 : vector<16xi1>, vector<16xi32>
      %get3A_1159 = arith.constant 61 : i32
      %get3A_1160 = arith.index_cast %get3A_1159 : i32 to index
      %get3A_1161 = arith.index_cast %mul3A_49 : i32 to index
      %get3A_1162 = tpu.vector_load %arg4[%get3A_1160, %get3A_1161] {strides = array<i32>} : memref<64x512xf32, #tpu.memory_space<vmem>>, vector<16xf32>,
      %broadcast_in_dim3A_1163 = arith.constant 61 : i32
      %broadcast_in_dim3A_1164 = vector.broadcast %broadcast_in_dim3A_1163 : i32 to vector<16xi32>
      %gt3A_1165 = arith.cmpf ogt, %get3A_1162, %select_n3A_1157 : vector<16xf32>
      %gt3A_1166 = arith.cmpf ogt, %get3A_1162, %select_n3A_1155 : vector<16xf32>
      %select_n3A_1167 = arith.select %gt3A_1166, %get3A_1162, %select_n3A_1155 : vector<16xi1>, vector<16xf32>
      %select_n3A_1168 = arith.select %gt3A_1166, %broadcast_in_dim3A_1164, %select_n3A_1156 : vector<16xi1>, vector<16xi32>
      %select_n3A_1169 = arith.select %gt3A_1165, %select_n3A_1157, %select_n3A_1167 : vector<16xi1>, vector<16xf32>
      %select_n3A_1170 = arith.select %gt3A_1165, %select_n3A_1158, %select_n3A_1168 : vector<16xi1>, vector<16xi32>
      %select_n3A_1171 = arith.select %gt3A_1165, %get3A_1162, %select_n3A_1157 : vector<16xi1>, vector<16xf32>
      %select_n3A_1172 = arith.select %gt3A_1165, %broadcast_in_dim3A_1164, %select_n3A_1158 : vector<16xi1>, vector<16xi32>
      %get3A_1173 = arith.constant 62 : i32
      %get3A_1174 = arith.index_cast %get3A_1173 : i32 to index
      %get3A_1175 = arith.index_cast %mul3A_49 : i32 to index
      %get3A_1176 = tpu.vector_load %arg4[%get3A_1174, %get3A_1175] {strides = array<i32>} : memref<64x512xf32, #tpu.memory_space<vmem>>, vector<16xf32>,
      %broadcast_in_dim3A_1177 = arith.constant 62 : i32
      %broadcast_in_dim3A_1178 = vector.broadcast %broadcast_in_dim3A_1177 : i32 to vector<16xi32>
      %gt3A_1179 = arith.cmpf ogt, %get3A_1176, %select_n3A_1171 : vector<16xf32>
      %gt3A_1180 = arith.cmpf ogt, %get3A_1176, %select_n3A_1169 : vector<16xf32>
      %select_n3A_1181 = arith.select %gt3A_1180, %get3A_1176, %select_n3A_1169 : vector<16xi1>, vector<16xf32>
      %select_n3A_1182 = arith.select %gt3A_1180, %broadcast_in_dim3A_1178, %select_n3A_1170 : vector<16xi1>, vector<16xi32>
      %select_n3A_1183 = arith.select %gt3A_1179, %select_n3A_1171, %select_n3A_1181 : vector<16xi1>, vector<16xf32>
      %select_n3A_1184 = arith.select %gt3A_1179, %select_n3A_1172, %select_n3A_1182 : vector<16xi1>, vector<16xi32>
      %select_n3A_1185 = arith.select %gt3A_1179, %get3A_1176, %select_n3A_1171 : vector<16xi1>, vector<16xf32>
      %select_n3A_1186 = arith.select %gt3A_1179, %broadcast_in_dim3A_1178, %select_n3A_1172 : vector<16xi1>, vector<16xi32>
      %get3A_1187 = arith.constant 63 : i32
      %get3A_1188 = arith.index_cast %get3A_1187 : i32 to index
      %get3A_1189 = arith.index_cast %mul3A_49 : i32 to index
      %get3A_1190 = tpu.vector_load %arg4[%get3A_1188, %get3A_1189] {strides = array<i32>} : memref<64x512xf32, #tpu.memory_space<vmem>>, vector<16xf32>,
      %broadcast_in_dim3A_1191 = arith.constant 63 : i32
      %broadcast_in_dim3A_1192 = vector.broadcast %broadcast_in_dim3A_1191 : i32 to vector<16xi32>
      %gt3A_1193 = arith.cmpf ogt, %get3A_1190, %select_n3A_1185 : vector<16xf32>
      %gt3A_1194 = arith.cmpf ogt, %get3A_1190, %select_n3A_1183 : vector<16xf32>
      %select_n3A_1195 = arith.select %gt3A_1194, %get3A_1190, %select_n3A_1183 : vector<16xi1>, vector<16xf32>
      %select_n3A_1196 = arith.select %gt3A_1194, %broadcast_in_dim3A_1192, %select_n3A_1184 : vector<16xi1>, vector<16xi32>
      %select_n3A_1197 = arith.select %gt3A_1193, %select_n3A_1185, %select_n3A_1195 : vector<16xi1>, vector<16xf32>
      %select_n3A_1198 = arith.select %gt3A_1193, %select_n3A_1186, %select_n3A_1196 : vector<16xi1>, vector<16xi32>
      %select_n3A_1199 = arith.select %gt3A_1193, %get3A_1190, %select_n3A_1185 : vector<16xi1>, vector<16xf32>
      %select_n3A_1200 = arith.select %gt3A_1193, %broadcast_in_dim3A_1192, %select_n3A_1186 : vector<16xi1>, vector<16xi32>
      %gt3A_1201 = arith.cmpf ogt, %select_n3A_751, %select_n3A_527 : vector<16xf32>
      %gt3A_1202 = arith.cmpf ogt, %select_n3A_751, %select_n3A_525 : vector<16xf32>
      %select_n3A_1203 = arith.select %gt3A_1202, %select_n3A_751, %select_n3A_525 : vector<16xi1>, vector<16xf32>
      %select_n3A_1204 = arith.select %gt3A_1202, %select_n3A_752, %select_n3A_526 : vector<16xi1>, vector<16xi32>
      %gt3A_1205 = arith.cmpf ogt, %select_n3A_749, %select_n3A_527 : vector<16xf32>
      %select_n3A_1206 = arith.select %gt3A_1205, %select_n3A_749, %select_n3A_527 : vector<16xi1>, vector<16xf32>
      %select_n3A_1207 = arith.select %gt3A_1205, %select_n3A_750, %select_n3A_528 : vector<16xi1>, vector<16xi32>
      %select_n3A_1208 = arith.select %gt3A_1201, %select_n3A_751, %select_n3A_527 : vector<16xi1>, vector<16xf32>
      %select_n3A_1209 = arith.select %gt3A_1201, %select_n3A_752, %select_n3A_528 : vector<16xi1>, vector<16xi32>
      %select_n3A_1210 = arith.select %gt3A_1201, %select_n3A_1206, %select_n3A_1203 : vector<16xi1>, vector<16xf32>
      %select_n3A_1211 = arith.select %gt3A_1201, %select_n3A_1207, %select_n3A_1204 : vector<16xi1>, vector<16xi32>
      %gt3A_1212 = arith.cmpf ogt, %select_n3A_1199, %select_n3A_975 : vector<16xf32>
      %gt3A_1213 = arith.cmpf ogt, %select_n3A_1199, %select_n3A_973 : vector<16xf32>
      %select_n3A_1214 = arith.select %gt3A_1213, %select_n3A_1199, %select_n3A_973 : vector<16xi1>, vector<16xf32>
      %select_n3A_1215 = arith.select %gt3A_1213, %select_n3A_1200, %select_n3A_974 : vector<16xi1>, vector<16xi32>
      %gt3A_1216 = arith.cmpf ogt, %select_n3A_1197, %select_n3A_975 : vector<16xf32>
      %select_n3A_1217 = arith.select %gt3A_1216, %select_n3A_1197, %select_n3A_975 : vector<16xi1>, vector<16xf32>
      %select_n3A_1218 = arith.select %gt3A_1216, %select_n3A_1198, %select_n3A_976 : vector<16xi1>, vector<16xi32>
      %select_n3A_1219 = arith.select %gt3A_1212, %select_n3A_1199, %select_n3A_975 : vector<16xi1>, vector<16xf32>
      %select_n3A_1220 = arith.select %gt3A_1212, %select_n3A_1200, %select_n3A_976 : vector<16xi1>, vector<16xi32>
      %select_n3A_1221 = arith.select %gt3A_1212, %select_n3A_1217, %select_n3A_1214 : vector<16xi1>, vector<16xf32>
      %select_n3A_1222 = arith.select %gt3A_1212, %select_n3A_1218, %select_n3A_1215 : vector<16xi1>, vector<16xi32>
      %gt3A_1223 = arith.cmpf ogt, %select_n3A_1219, %select_n3A_1208 : vector<16xf32>
      %gt3A_1224 = arith.cmpf ogt, %select_n3A_1219, %select_n3A_1210 : vector<16xf32>
      %select_n3A_1225 = arith.select %gt3A_1224, %select_n3A_1219, %select_n3A_1210 : vector<16xi1>, vector<16xf32>
      %select_n3A_1226 = arith.select %gt3A_1224, %select_n3A_1220, %select_n3A_1211 : vector<16xi1>, vector<16xi32>
      %gt3A_1227 = arith.cmpf ogt, %select_n3A_1221, %select_n3A_1208 : vector<16xf32>
      %select_n3A_1228 = arith.select %gt3A_1227, %select_n3A_1221, %select_n3A_1208 : vector<16xi1>, vector<16xf32>
      %select_n3A_1229 = arith.select %gt3A_1227, %select_n3A_1222, %select_n3A_1209 : vector<16xi1>, vector<16xi32>
      %select_n3A_1230 = arith.select %gt3A_1223, %select_n3A_1219, %select_n3A_1208 : vector<16xi1>, vector<16xf32>
      %select_n3A_1231 = arith.select %gt3A_1223, %select_n3A_1220, %select_n3A_1209 : vector<16xi1>, vector<16xi32>
      %select_n3A_1232 = arith.select %gt3A_1223, %select_n3A_1228, %select_n3A_1225 : vector<16xi1>, vector<16xf32>
      %select_n3A_1233 = arith.select %gt3A_1223, %select_n3A_1229, %select_n3A_1226 : vector<16xi1>, vector<16xi32>
      %sub3A_1234 = arith.subf %select_n3A_1232, %select_n3A_1230 : vector<16xf32>
      %exp3A = math.exp %sub3A_1234 : vector<16xf32>
      %add3A_1235 = arith.constant 1.000000e+00 : f32
      %add3A_1236 = vector.broadcast %add3A_1235 : f32 to vector<16xf32>
      %add3A_1237 = arith.addf %add3A_1236, %exp3A : vector<16xf32>
      %div3A_1238 = arith.constant 1.000000e+00 : f32
      %div3A_1239 = vector.broadcast %div3A_1238 : f32 to vector<16xf32>
      %div3A_1240 = arith.divf %div3A_1239, %add3A_1237 : vector<16xf32>
      %mul3A_1241 = arith.mulf %exp3A, %div3A_1240 : vector<16xf32>
      %add3A_1242 = vector.broadcast %mul3A_49 : i32 to vector<16xi32>
      %add3A_1243 = arith.addi %add3A_1242, %iota3A : vector<16xi32>
      %mul3A_1244 = arith.constant 64 : i32
      %mul3A_1245 = vector.broadcast %mul3A_1244 : i32 to vector<16xi32>
      %mul3A_1246 = arith.muli %add3A_1243, %mul3A_1245 : vector<16xi32>
      %add3A_1247 = arith.addi %mul3A_1246, %select_n3A_1231 : vector<16xi32>
      tpu.vector_store_idx %arg5[%add3A_1247], %div3A_1240 : memref<32768xf32, #tpu.memory_space<vmem>>[vector<16xi32>], vector<16xf32>,
      %add3A_1248 = arith.addi %mul3A_1246, %select_n3A_1233 : vector<16xi32>
      tpu.vector_store_idx %arg5[%add3A_1248], %mul3A_1241 : memref<32768xf32, #tpu.memory_space<vmem>>[vector<16xi32>], vector<16xf32>,
      %scan3A_1249 = arith.constant 0 : i32
      scf.yield %scan3A_1249 : i32
    }
    %scan3A_43 = arith.constant 32 : i32
    %mul3A_44 = arith.constant 32768 : i32
    %mul3A_45 = arith.muli %add3A, %mul3A_44 : i32
    "tpu.region"() ({
      %run_scoped3A = tpu.sem_alloc : memref<!tpu.dma_semaphore, #tpu.memory_space<semaphore_mem>>
      %dma_start3A = tpu.memref_slice %arg3[%mul3A_45] : memref<1048576xf32, #tpu.memory_space<hbm>> -> memref<32768xf32, #tpu.memory_space<hbm>>
      %dma_start3A_46 = tpu.memref_slice %arg3[%mul3A_45] : memref<1048576xf32, #tpu.memory_space<hbm>> -> memref<32768xf32, #tpu.memory_space<hbm>>
      tpu.enqueue_dma source(%arg5 : memref<32768xf32, #tpu.memory_space<vmem>>) target(%dma_start3A_46 : memref<32768xf32, #tpu.memory_space<hbm>>) target_semaphore(%run_scoped3A : memref<!tpu.dma_semaphore, #tpu.memory_space<semaphore_mem>>)
      %dma_wait3A = tpu.memref_slice %arg3[%mul3A_45] : memref<1048576xf32, #tpu.memory_space<hbm>> -> memref<32768xf32, #tpu.memory_space<hbm>>
      %dma_wait3A_47 = tpu.memref_slice %arg3[%mul3A_45] : memref<1048576xf32, #tpu.memory_space<hbm>> -> memref<32768xf32, #tpu.memory_space<hbm>>
      tpu.wait_dma2 semaphore(%run_scoped3A : memref<!tpu.dma_semaphore, #tpu.memory_space<semaphore_mem>>) src(%arg5 : memref<32768xf32, #tpu.memory_space<vmem>>) dst(%dma_wait3A_47 : memref<32768xf32, #tpu.memory_space<hbm>>)
      tpu.yield
    }) : () -> ()
    return
  }
}

module attributes {stable_mosaic.version = 14 : i64} {
  func.func @_logits_body(%arg0: i32, %arg1: memref<1024x2048xf32, #tpu.memory_space<vmem>>, %arg2: memref<64x2048xf32, #tpu.memory_space<vmem>>, %arg3: memref<64x1xf32, #tpu.memory_space<vmem>>, %arg4: memref<1x64x1024xf32, #tpu.memory_space<vmem>>) attributes {dimension_semantics = [#tpu.dimension_semantics<arbitrary>], iteration_bounds = array<i64: 16>, scalar_prefetch = 0 : i64, scratch_operands = 0 : i64, tpu.core_type = #tpu.core_type<tc>, window_params = [{transform_indices = @transform_0, window_bounds = array<i64: 1024, 2048>}, {pipeline_mode = #tpu.pipeline_mode<synchronous>, transform_indices = @transform_1, window_bounds = array<i64: 64, 2048>}, {pipeline_mode = #tpu.pipeline_mode<synchronous>, transform_indices = @transform_2, window_bounds = array<i64: 64, 1>}, {transform_indices = @transform_3, window_bounds = array<i64: 1, 64, 1024>}]} {
    %get3A = arith.constant 0 : index
    %get3A_0 = arith.constant 0 : index
    %get3A_1 = vector.load %arg2[%get3A, %get3A_0] : memref<64x2048xf32, #tpu.memory_space<vmem>>, vector<64x2048xf32>
    %get3A_2 = arith.constant 0 : index
    %get3A_3 = arith.constant 0 : index
    %get3A_4 = vector.load %arg1[%get3A_2, %get3A_3] : memref<1024x2048xf32, #tpu.memory_space<vmem>>, vector<1024x2048xf32>
    %dot_general3A = arith.constant dense<0.000000e+00> : vector<64x1024xf32>
    %dot_general3A_5 = tpu.matmul %get3A_1, %get3A_4, %dot_general3A {dimension_numbers = #tpu.dot_dimension_numbers<[1], [1], [0], [0], [0, 0, 1, 0], [], []>, transpose_lhs_hint = false} : vector<64x2048xf32>, vector<1024x2048xf32>, vector<64x1024xf32> -> vector<64x1024xf32>
    %mul3A = arith.constant 65536 : i32
    %mul3A_6 = arith.muli %arg0, %mul3A : i32
    %iota3A = tpu.iota {dimensions = array<i32: 1>} : vector<64x1024xi32>
    %mul3A_7 = arith.constant 64 : i32
    %mul3A_8 = vector.broadcast %mul3A_7 : i32 to vector<64x1024xi32>
    %mul3A_9 = arith.muli %iota3A, %mul3A_8 : vector<64x1024xi32>
    %add3A = vector.broadcast %mul3A_6 : i32 to vector<64x1024xi32>
    %add3A_10 = arith.addi %add3A, %mul3A_9 : vector<64x1024xi32>
    %iota3A_11 = tpu.iota {dimensions = array<i32: 0>} : vector<64x1024xi32>
    %add3A_12 = arith.addi %add3A_10, %iota3A_11 : vector<64x1024xi32>
    %get3A_13 = arith.constant 0 : index
    %get3A_14 = arith.constant 0 : index
    %get3A_15 = vector.load %arg3[%get3A_13, %get3A_14] : memref<64x1xf32, #tpu.memory_space<vmem>>, vector<64x1xf32>
    %add3A_16 = vector.broadcast %get3A_15 : vector<64x1xf32> to vector<64x1024xf32>
    %add3A_17 = arith.addf %dot_general3A_5, %add3A_16 : vector<64x1024xf32>
    %broadcast_in_dim3A = arith.constant 0 : i32
    %broadcast_in_dim3A_18 = vector.broadcast %broadcast_in_dim3A : i32 to vector<64x1024xi32>
    %add3A_19 = arith.constant 0 : i32
    %add3A_20 = vector.broadcast %add3A_19 : i32 to vector<64x1024xi32>
    %add3A_21 = arith.addi %broadcast_in_dim3A_18, %add3A_20 : vector<64x1024xi32>
    %add3A_22 = arith.constant 1 : i32
    %add3A_23 = vector.broadcast %add3A_22 : i32 to vector<64x1024xi32>
    %add3A_24 = arith.addi %add3A_12, %add3A_23 : vector<64x1024xi32>
    %add3A_25 = arith.addi %add3A_21, %add3A_24 : vector<64x1024xi32>
    %shift_left3A = arith.constant 13 : i32
    %shift_left3A_26 = vector.broadcast %shift_left3A : i32 to vector<64x1024xi32>
    %shift_left3A_27 = arith.shli %add3A_24, %shift_left3A_26 : vector<64x1024xi32>
    %shift_right_logical3A = arith.constant 19 : i32
    %shift_right_logical3A_28 = vector.broadcast %shift_right_logical3A : i32 to vector<64x1024xi32>
    %shift_right_logical3A_29 = arith.shrui %add3A_24, %shift_right_logical3A_28 : vector<64x1024xi32>
    %or3A = arith.ori %shift_left3A_27, %shift_right_logical3A_29 : vector<64x1024xi32>
    %xor3A = arith.xori %add3A_25, %or3A : vector<64x1024xi32>
    %add3A_30 = arith.addi %add3A_25, %xor3A : vector<64x1024xi32>
    %shift_left3A_31 = arith.constant 15 : i32
    %shift_left3A_32 = vector.broadcast %shift_left3A_31 : i32 to vector<64x1024xi32>
    %shift_left3A_33 = arith.shli %xor3A, %shift_left3A_32 : vector<64x1024xi32>
    %shift_right_logical3A_34 = arith.constant 17 : i32
    %shift_right_logical3A_35 = vector.broadcast %shift_right_logical3A_34 : i32 to vector<64x1024xi32>
    %shift_right_logical3A_36 = arith.shrui %xor3A, %shift_right_logical3A_35 : vector<64x1024xi32>
    %or3A_37 = arith.ori %shift_left3A_33, %shift_right_logical3A_36 : vector<64x1024xi32>
    %xor3A_38 = arith.xori %add3A_30, %or3A_37 : vector<64x1024xi32>
    %add3A_39 = arith.addi %add3A_30, %xor3A_38 : vector<64x1024xi32>
    %shift_left3A_40 = arith.constant 26 : i32
    %shift_left3A_41 = vector.broadcast %shift_left3A_40 : i32 to vector<64x1024xi32>
    %shift_left3A_42 = arith.shli %xor3A_38, %shift_left3A_41 : vector<64x1024xi32>
    %shift_right_logical3A_43 = arith.constant 6 : i32
    %shift_right_logical3A_44 = vector.broadcast %shift_right_logical3A_43 : i32 to vector<64x1024xi32>
    %shift_right_logical3A_45 = arith.shrui %xor3A_38, %shift_right_logical3A_44 : vector<64x1024xi32>
    %or3A_46 = arith.ori %shift_left3A_42, %shift_right_logical3A_45 : vector<64x1024xi32>
    %xor3A_47 = arith.xori %add3A_39, %or3A_46 : vector<64x1024xi32>
    %add3A_48 = arith.addi %add3A_39, %xor3A_47 : vector<64x1024xi32>
    %shift_left3A_49 = arith.constant 6 : i32
    %shift_left3A_50 = vector.broadcast %shift_left3A_49 : i32 to vector<64x1024xi32>
    %shift_left3A_51 = arith.shli %xor3A_47, %shift_left3A_50 : vector<64x1024xi32>
    %shift_right_logical3A_52 = arith.constant 26 : i32
    %shift_right_logical3A_53 = vector.broadcast %shift_right_logical3A_52 : i32 to vector<64x1024xi32>
    %shift_right_logical3A_54 = arith.shrui %xor3A_47, %shift_right_logical3A_53 : vector<64x1024xi32>
    %or3A_55 = arith.ori %shift_left3A_51, %shift_right_logical3A_54 : vector<64x1024xi32>
    %xor3A_56 = arith.xori %add3A_48, %or3A_55 : vector<64x1024xi32>
    %add3A_57 = arith.constant 1 : i32
    %add3A_58 = vector.broadcast %add3A_57 : i32 to vector<64x1024xi32>
    %add3A_59 = arith.addi %add3A_48, %add3A_58 : vector<64x1024xi32>
    %add3A_60 = arith.constant 466688987 : i32
    %add3A_61 = vector.broadcast %add3A_60 : i32 to vector<64x1024xi32>
    %add3A_62 = arith.addi %xor3A_56, %add3A_61 : vector<64x1024xi32>
    %add3A_63 = arith.constant 1 : i32
    %add3A_64 = vector.broadcast %add3A_63 : i32 to vector<64x1024xi32>
    %add3A_65 = arith.addi %add3A_62, %add3A_64 : vector<64x1024xi32>
    %add3A_66 = arith.addi %add3A_59, %add3A_65 : vector<64x1024xi32>
    %shift_left3A_67 = arith.constant 17 : i32
    %shift_left3A_68 = vector.broadcast %shift_left3A_67 : i32 to vector<64x1024xi32>
    %shift_left3A_69 = arith.shli %add3A_65, %shift_left3A_68 : vector<64x1024xi32>
    %shift_right_logical3A_70 = arith.constant 15 : i32
    %shift_right_logical3A_71 = vector.broadcast %shift_right_logical3A_70 : i32 to vector<64x1024xi32>
    %shift_right_logical3A_72 = arith.shrui %add3A_65, %shift_right_logical3A_71 : vector<64x1024xi32>
    %or3A_73 = arith.ori %shift_left3A_69, %shift_right_logical3A_72 : vector<64x1024xi32>
    %xor3A_74 = arith.xori %add3A_66, %or3A_73 : vector<64x1024xi32>
    %add3A_75 = arith.addi %add3A_66, %xor3A_74 : vector<64x1024xi32>
    %shift_left3A_76 = arith.constant 29 : i32
    %shift_left3A_77 = vector.broadcast %shift_left3A_76 : i32 to vector<64x1024xi32>
    %shift_left3A_78 = arith.shli %xor3A_74, %shift_left3A_77 : vector<64x1024xi32>
    %shift_right_logical3A_79 = arith.constant 3 : i32
    %shift_right_logical3A_80 = vector.broadcast %shift_right_logical3A_79 : i32 to vector<64x1024xi32>
    %shift_right_logical3A_81 = arith.shrui %xor3A_74, %shift_right_logical3A_80 : vector<64x1024xi32>
    %or3A_82 = arith.ori %shift_left3A_78, %shift_right_logical3A_81 : vector<64x1024xi32>
    %xor3A_83 = arith.xori %add3A_75, %or3A_82 : vector<64x1024xi32>
    %add3A_84 = arith.addi %add3A_75, %xor3A_83 : vector<64x1024xi32>
    %shift_left3A_85 = arith.constant 16 : i32
    %shift_left3A_86 = vector.broadcast %shift_left3A_85 : i32 to vector<64x1024xi32>
    %shift_left3A_87 = arith.shli %xor3A_83, %shift_left3A_86 : vector<64x1024xi32>
    %shift_right_logical3A_88 = arith.constant 16 : i32
    %shift_right_logical3A_89 = vector.broadcast %shift_right_logical3A_88 : i32 to vector<64x1024xi32>
    %shift_right_logical3A_90 = arith.shrui %xor3A_83, %shift_right_logical3A_89 : vector<64x1024xi32>
    %or3A_91 = arith.ori %shift_left3A_87, %shift_right_logical3A_90 : vector<64x1024xi32>
    %xor3A_92 = arith.xori %add3A_84, %or3A_91 : vector<64x1024xi32>
    %add3A_93 = arith.addi %add3A_84, %xor3A_92 : vector<64x1024xi32>
    %shift_left3A_94 = arith.constant 24 : i32
    %shift_left3A_95 = vector.broadcast %shift_left3A_94 : i32 to vector<64x1024xi32>
    %shift_left3A_96 = arith.shli %xor3A_92, %shift_left3A_95 : vector<64x1024xi32>
    %shift_right_logical3A_97 = arith.constant 8 : i32
    %shift_right_logical3A_98 = vector.broadcast %shift_right_logical3A_97 : i32 to vector<64x1024xi32>
    %shift_right_logical3A_99 = arith.shrui %xor3A_92, %shift_right_logical3A_98 : vector<64x1024xi32>
    %or3A_100 = arith.ori %shift_left3A_96, %shift_right_logical3A_99 : vector<64x1024xi32>
    %xor3A_101 = arith.xori %add3A_93, %or3A_100 : vector<64x1024xi32>
    %add3A_102 = arith.constant 466688987 : i32
    %add3A_103 = vector.broadcast %add3A_102 : i32 to vector<64x1024xi32>
    %add3A_104 = arith.addi %add3A_93, %add3A_103 : vector<64x1024xi32>
    %add3A_105 = arith.constant 0 : i32
    %add3A_106 = vector.broadcast %add3A_105 : i32 to vector<64x1024xi32>
    %add3A_107 = arith.addi %xor3A_101, %add3A_106 : vector<64x1024xi32>
    %add3A_108 = arith.constant 2 : i32
    %add3A_109 = vector.broadcast %add3A_108 : i32 to vector<64x1024xi32>
    %add3A_110 = arith.addi %add3A_107, %add3A_109 : vector<64x1024xi32>
    %add3A_111 = arith.addi %add3A_104, %add3A_110 : vector<64x1024xi32>
    %shift_left3A_112 = arith.constant 13 : i32
    %shift_left3A_113 = vector.broadcast %shift_left3A_112 : i32 to vector<64x1024xi32>
    %shift_left3A_114 = arith.shli %add3A_110, %shift_left3A_113 : vector<64x1024xi32>
    %shift_right_logical3A_115 = arith.constant 19 : i32
    %shift_right_logical3A_116 = vector.broadcast %shift_right_logical3A_115 : i32 to vector<64x1024xi32>
    %shift_right_logical3A_117 = arith.shrui %add3A_110, %shift_right_logical3A_116 : vector<64x1024xi32>
    %or3A_118 = arith.ori %shift_left3A_114, %shift_right_logical3A_117 : vector<64x1024xi32>
    %xor3A_119 = arith.xori %add3A_111, %or3A_118 : vector<64x1024xi32>
    %add3A_120 = arith.addi %add3A_111, %xor3A_119 : vector<64x1024xi32>
    %shift_left3A_121 = arith.constant 15 : i32
    %shift_left3A_122 = vector.broadcast %shift_left3A_121 : i32 to vector<64x1024xi32>
    %shift_left3A_123 = arith.shli %xor3A_119, %shift_left3A_122 : vector<64x1024xi32>
    %shift_right_logical3A_124 = arith.constant 17 : i32
    %shift_right_logical3A_125 = vector.broadcast %shift_right_logical3A_124 : i32 to vector<64x1024xi32>
    %shift_right_logical3A_126 = arith.shrui %xor3A_119, %shift_right_logical3A_125 : vector<64x1024xi32>
    %or3A_127 = arith.ori %shift_left3A_123, %shift_right_logical3A_126 : vector<64x1024xi32>
    %xor3A_128 = arith.xori %add3A_120, %or3A_127 : vector<64x1024xi32>
    %add3A_129 = arith.addi %add3A_120, %xor3A_128 : vector<64x1024xi32>
    %shift_left3A_130 = arith.constant 26 : i32
    %shift_left3A_131 = vector.broadcast %shift_left3A_130 : i32 to vector<64x1024xi32>
    %shift_left3A_132 = arith.shli %xor3A_128, %shift_left3A_131 : vector<64x1024xi32>
    %shift_right_logical3A_133 = arith.constant 6 : i32
    %shift_right_logical3A_134 = vector.broadcast %shift_right_logical3A_133 : i32 to vector<64x1024xi32>
    %shift_right_logical3A_135 = arith.shrui %xor3A_128, %shift_right_logical3A_134 : vector<64x1024xi32>
    %or3A_136 = arith.ori %shift_left3A_132, %shift_right_logical3A_135 : vector<64x1024xi32>
    %xor3A_137 = arith.xori %add3A_129, %or3A_136 : vector<64x1024xi32>
    %add3A_138 = arith.addi %add3A_129, %xor3A_137 : vector<64x1024xi32>
    %shift_left3A_139 = arith.constant 6 : i32
    %shift_left3A_140 = vector.broadcast %shift_left3A_139 : i32 to vector<64x1024xi32>
    %shift_left3A_141 = arith.shli %xor3A_137, %shift_left3A_140 : vector<64x1024xi32>
    %shift_right_logical3A_142 = arith.constant 26 : i32
    %shift_right_logical3A_143 = vector.broadcast %shift_right_logical3A_142 : i32 to vector<64x1024xi32>
    %shift_right_logical3A_144 = arith.shrui %xor3A_137, %shift_right_logical3A_143 : vector<64x1024xi32>
    %or3A_145 = arith.ori %shift_left3A_141, %shift_right_logical3A_144 : vector<64x1024xi32>
    %xor3A_146 = arith.xori %add3A_138, %or3A_145 : vector<64x1024xi32>
    %add3A_147 = arith.constant 0 : i32
    %add3A_148 = vector.broadcast %add3A_147 : i32 to vector<64x1024xi32>
    %add3A_149 = arith.addi %add3A_138, %add3A_148 : vector<64x1024xi32>
    %add3A_150 = arith.constant 1 : i32
    %add3A_151 = vector.broadcast %add3A_150 : i32 to vector<64x1024xi32>
    %add3A_152 = arith.addi %xor3A_146, %add3A_151 : vector<64x1024xi32>
    %add3A_153 = arith.constant 3 : i32
    %add3A_154 = vector.broadcast %add3A_153 : i32 to vector<64x1024xi32>
    %add3A_155 = arith.addi %add3A_152, %add3A_154 : vector<64x1024xi32>
    %add3A_156 = arith.addi %add3A_149, %add3A_155 : vector<64x1024xi32>
    %shift_left3A_157 = arith.constant 17 : i32
    %shift_left3A_158 = vector.broadcast %shift_left3A_157 : i32 to vector<64x1024xi32>
    %shift_left3A_159 = arith.shli %add3A_155, %shift_left3A_158 : vector<64x1024xi32>
    %shift_right_logical3A_160 = arith.constant 15 : i32
    %shift_right_logical3A_161 = vector.broadcast %shift_right_logical3A_160 : i32 to vector<64x1024xi32>
    %shift_right_logical3A_162 = arith.shrui %add3A_155, %shift_right_logical3A_161 : vector<64x1024xi32>
    %or3A_163 = arith.ori %shift_left3A_159, %shift_right_logical3A_162 : vector<64x1024xi32>
    %xor3A_164 = arith.xori %add3A_156, %or3A_163 : vector<64x1024xi32>
    %add3A_165 = arith.addi %add3A_156, %xor3A_164 : vector<64x1024xi32>
    %shift_left3A_166 = arith.constant 29 : i32
    %shift_left3A_167 = vector.broadcast %shift_left3A_166 : i32 to vector<64x1024xi32>
    %shift_left3A_168 = arith.shli %xor3A_164, %shift_left3A_167 : vector<64x1024xi32>
    %shift_right_logical3A_169 = arith.constant 3 : i32
    %shift_right_logical3A_170 = vector.broadcast %shift_right_logical3A_169 : i32 to vector<64x1024xi32>
    %shift_right_logical3A_171 = arith.shrui %xor3A_164, %shift_right_logical3A_170 : vector<64x1024xi32>
    %or3A_172 = arith.ori %shift_left3A_168, %shift_right_logical3A_171 : vector<64x1024xi32>
    %xor3A_173 = arith.xori %add3A_165, %or3A_172 : vector<64x1024xi32>
    %add3A_174 = arith.addi %add3A_165, %xor3A_173 : vector<64x1024xi32>
    %shift_left3A_175 = arith.constant 16 : i32
    %shift_left3A_176 = vector.broadcast %shift_left3A_175 : i32 to vector<64x1024xi32>
    %shift_left3A_177 = arith.shli %xor3A_173, %shift_left3A_176 : vector<64x1024xi32>
    %shift_right_logical3A_178 = arith.constant 16 : i32
    %shift_right_logical3A_179 = vector.broadcast %shift_right_logical3A_178 : i32 to vector<64x1024xi32>
    %shift_right_logical3A_180 = arith.shrui %xor3A_173, %shift_right_logical3A_179 : vector<64x1024xi32>
    %or3A_181 = arith.ori %shift_left3A_177, %shift_right_logical3A_180 : vector<64x1024xi32>
    %xor3A_182 = arith.xori %add3A_174, %or3A_181 : vector<64x1024xi32>
    %add3A_183 = arith.addi %add3A_174, %xor3A_182 : vector<64x1024xi32>
    %shift_left3A_184 = arith.constant 24 : i32
    %shift_left3A_185 = vector.broadcast %shift_left3A_184 : i32 to vector<64x1024xi32>
    %shift_left3A_186 = arith.shli %xor3A_182, %shift_left3A_185 : vector<64x1024xi32>
    %shift_right_logical3A_187 = arith.constant 8 : i32
    %shift_right_logical3A_188 = vector.broadcast %shift_right_logical3A_187 : i32 to vector<64x1024xi32>
    %shift_right_logical3A_189 = arith.shrui %xor3A_182, %shift_right_logical3A_188 : vector<64x1024xi32>
    %or3A_190 = arith.ori %shift_left3A_186, %shift_right_logical3A_189 : vector<64x1024xi32>
    %xor3A_191 = arith.xori %add3A_183, %or3A_190 : vector<64x1024xi32>
    %add3A_192 = arith.constant 1 : i32
    %add3A_193 = vector.broadcast %add3A_192 : i32 to vector<64x1024xi32>
    %add3A_194 = arith.addi %add3A_183, %add3A_193 : vector<64x1024xi32>
    %add3A_195 = arith.constant 466688987 : i32
    %add3A_196 = vector.broadcast %add3A_195 : i32 to vector<64x1024xi32>
    %add3A_197 = arith.addi %xor3A_191, %add3A_196 : vector<64x1024xi32>
    %add3A_198 = arith.constant 4 : i32
    %add3A_199 = vector.broadcast %add3A_198 : i32 to vector<64x1024xi32>
    %add3A_200 = arith.addi %add3A_197, %add3A_199 : vector<64x1024xi32>
    %add3A_201 = arith.addi %add3A_194, %add3A_200 : vector<64x1024xi32>
    %shift_left3A_202 = arith.constant 13 : i32
    %shift_left3A_203 = vector.broadcast %shift_left3A_202 : i32 to vector<64x1024xi32>
    %shift_left3A_204 = arith.shli %add3A_200, %shift_left3A_203 : vector<64x1024xi32>
    %shift_right_logical3A_205 = arith.constant 19 : i32
    %shift_right_logical3A_206 = vector.broadcast %shift_right_logical3A_205 : i32 to vector<64x1024xi32>
    %shift_right_logical3A_207 = arith.shrui %add3A_200, %shift_right_logical3A_206 : vector<64x1024xi32>
    %or3A_208 = arith.ori %shift_left3A_204, %shift_right_logical3A_207 : vector<64x1024xi32>
    %xor3A_209 = arith.xori %add3A_201, %or3A_208 : vector<64x1024xi32>
    %add3A_210 = arith.addi %add3A_201, %xor3A_209 : vector<64x1024xi32>
    %shift_left3A_211 = arith.constant 15 : i32
    %shift_left3A_212 = vector.broadcast %shift_left3A_211 : i32 to vector<64x1024xi32>
    %shift_left3A_213 = arith.shli %xor3A_209, %shift_left3A_212 : vector<64x1024xi32>
    %shift_right_logical3A_214 = arith.constant 17 : i32
    %shift_right_logical3A_215 = vector.broadcast %shift_right_logical3A_214 : i32 to vector<64x1024xi32>
    %shift_right_logical3A_216 = arith.shrui %xor3A_209, %shift_right_logical3A_215 : vector<64x1024xi32>
    %or3A_217 = arith.ori %shift_left3A_213, %shift_right_logical3A_216 : vector<64x1024xi32>
    %xor3A_218 = arith.xori %add3A_210, %or3A_217 : vector<64x1024xi32>
    %add3A_219 = arith.addi %add3A_210, %xor3A_218 : vector<64x1024xi32>
    %shift_left3A_220 = arith.constant 26 : i32
    %shift_left3A_221 = vector.broadcast %shift_left3A_220 : i32 to vector<64x1024xi32>
    %shift_left3A_222 = arith.shli %xor3A_218, %shift_left3A_221 : vector<64x1024xi32>
    %shift_right_logical3A_223 = arith.constant 6 : i32
    %shift_right_logical3A_224 = vector.broadcast %shift_right_logical3A_223 : i32 to vector<64x1024xi32>
    %shift_right_logical3A_225 = arith.shrui %xor3A_218, %shift_right_logical3A_224 : vector<64x1024xi32>
    %or3A_226 = arith.ori %shift_left3A_222, %shift_right_logical3A_225 : vector<64x1024xi32>
    %xor3A_227 = arith.xori %add3A_219, %or3A_226 : vector<64x1024xi32>
    %add3A_228 = arith.addi %add3A_219, %xor3A_227 : vector<64x1024xi32>
    %shift_left3A_229 = arith.constant 6 : i32
    %shift_left3A_230 = vector.broadcast %shift_left3A_229 : i32 to vector<64x1024xi32>
    %shift_left3A_231 = arith.shli %xor3A_227, %shift_left3A_230 : vector<64x1024xi32>
    %shift_right_logical3A_232 = arith.constant 26 : i32
    %shift_right_logical3A_233 = vector.broadcast %shift_right_logical3A_232 : i32 to vector<64x1024xi32>
    %shift_right_logical3A_234 = arith.shrui %xor3A_227, %shift_right_logical3A_233 : vector<64x1024xi32>
    %or3A_235 = arith.ori %shift_left3A_231, %shift_right_logical3A_234 : vector<64x1024xi32>
    %xor3A_236 = arith.xori %add3A_228, %or3A_235 : vector<64x1024xi32>
    %add3A_237 = arith.constant 466688987 : i32
    %add3A_238 = vector.broadcast %add3A_237 : i32 to vector<64x1024xi32>
    %add3A_239 = arith.addi %add3A_228, %add3A_238 : vector<64x1024xi32>
    %add3A_240 = arith.constant 0 : i32
    %add3A_241 = vector.broadcast %add3A_240 : i32 to vector<64x1024xi32>
    %add3A_242 = arith.addi %xor3A_236, %add3A_241 : vector<64x1024xi32>
    %add3A_243 = arith.constant 5 : i32
    %add3A_244 = vector.broadcast %add3A_243 : i32 to vector<64x1024xi32>
    %add3A_245 = arith.addi %add3A_242, %add3A_244 : vector<64x1024xi32>
    %xor3A_246 = arith.xori %add3A_239, %add3A_245 : vector<64x1024xi32>
    %shift_right_logical3A_247 = arith.constant 9 : i32
    %shift_right_logical3A_248 = vector.broadcast %shift_right_logical3A_247 : i32 to vector<64x1024xi32>
    %shift_right_logical3A_249 = arith.shrui %xor3A_246, %shift_right_logical3A_248 : vector<64x1024xi32>
    %or3A_250 = arith.constant 1065353216 : i32
    %or3A_251 = vector.broadcast %or3A_250 : i32 to vector<64x1024xi32>
    %or3A_252 = arith.ori %shift_right_logical3A_249, %or3A_251 : vector<64x1024xi32>
    %bitcast_convert_type3A = tpu.bitcast %or3A_252 : vector<64x1024xi32> -> vector<64x1024xf32>
    %sub3A = arith.constant 1.000000e+00 : f32
    %sub3A_253 = vector.broadcast %sub3A : f32 to vector<64x1024xf32>
    %sub3A_254 = arith.subf %bitcast_convert_type3A, %sub3A_253 : vector<64x1024xf32>
    %mul3A_255 = arith.constant 2.000000e+00 : f32
    %mul3A_256 = vector.broadcast %mul3A_255 : f32 to vector<64x1024xf32>
    %mul3A_257 = arith.mulf %sub3A_254, %mul3A_256 : vector<64x1024xf32>
    %add3A_258 = arith.constant -0.99999994 : f32
    %add3A_259 = vector.broadcast %add3A_258 : f32 to vector<64x1024xf32>
    %add3A_260 = arith.addf %mul3A_257, %add3A_259 : vector<64x1024xf32>
    %max3A = arith.constant -0.99999994 : f32
    %max3A_261 = vector.broadcast %max3A : f32 to vector<64x1024xf32>
    %max3A_262 = arith.maximumf %max3A_261, %add3A_260 : vector<64x1024xf32>
    %erf_inv3A = arith.constant 0.000000e+00 : f32
    %erf_inv3A_263 = vector.broadcast %erf_inv3A : f32 to vector<64x1024xf32>
    %erf_inv3A_264 = arith.subf %erf_inv3A_263, %max3A_262 : vector<64x1024xf32>
    %erf_inv3A_265 = arith.mulf %max3A_262, %erf_inv3A_264 : vector<64x1024xf32>
    %erf_inv3A_266 = math.log1p %erf_inv3A_265 : vector<64x1024xf32>
    %erf_inv3A_267 = arith.constant 0.000000e+00 : f32
    %erf_inv3A_268 = vector.broadcast %erf_inv3A_267 : f32 to vector<64x1024xf32>
    %erf_inv3A_269 = arith.subf %erf_inv3A_268, %erf_inv3A_266 : vector<64x1024xf32>
    %erf_inv3A_270 = arith.constant 5.000000e+00 : f32
    %erf_inv3A_271 = vector.broadcast %erf_inv3A_270 : f32 to vector<64x1024xf32>
    %erf_inv3A_272 = arith.cmpf olt, %erf_inv3A_269, %erf_inv3A_271 : vector<64x1024xf32>
    %erf_inv3A_273 = arith.constant 2.500000e+00 : f32
    %erf_inv3A_274 = vector.broadcast %erf_inv3A_273 : f32 to vector<64x1024xf32>
    %erf_inv3A_275 = arith.subf %erf_inv3A_269, %erf_inv3A_274 : vector<64x1024xf32>
    %erf_inv3A_276 = math.sqrt %erf_inv3A_269 : vector<64x1024xf32>
    %erf_inv3A_277 = arith.constant 3.000000e+00 : f32
    %erf_inv3A_278 = vector.broadcast %erf_inv3A_277 : f32 to vector<64x1024xf32>
    %erf_inv3A_279 = arith.subf %erf_inv3A_276, %erf_inv3A_278 : vector<64x1024xf32>
    %erf_inv3A_280 = arith.select %erf_inv3A_272, %erf_inv3A_275, %erf_inv3A_279 : vector<64x1024xi1>, vector<64x1024xf32>
    %erf_inv3A_281 = arith.constant 2.81022636E-8 : f32
    %erf_inv3A_282 = arith.constant -2.00214257E-4 : f32
    %erf_inv3A_283 = vector.broadcast %erf_inv3A_281 : f32 to vector<64x1024xf32>
    %erf_inv3A_284 = vector.broadcast %erf_inv3A_282 : f32 to vector<64x1024xf32>
    %erf_inv3A_285 = arith.select %erf_inv3A_272, %erf_inv3A_283, %erf_inv3A_284 : vector<64x1024xi1>, vector<64x1024xf32>
    %erf_inv3A_286 = arith.constant 3.43273939E-7 : f32
    %erf_inv3A_287 = arith.constant 1.00950558E-4 : f32
    %erf_inv3A_288 = vector.broadcast %erf_inv3A_286 : f32 to vector<64x1024xf32>
    %erf_inv3A_289 = vector.broadcast %erf_inv3A_287 : f32 to vector<64x1024xf32>
    %erf_inv3A_290 = arith.select %erf_inv3A_272, %erf_inv3A_288, %erf_inv3A_289 : vector<64x1024xi1>, vector<64x1024xf32>
    %erf_inv3A_291 = arith.mulf %erf_inv3A_285, %erf_inv3A_280 : vector<64x1024xf32>
    %erf_inv3A_292 = arith.addf %erf_inv3A_290, %erf_inv3A_291 : vector<64x1024xf32>
    %erf_inv3A_293 = arith.constant -3.5233877E-6 : f32
    %erf_inv3A_294 = arith.constant 0.00134934322 : f32
    %erf_inv3A_295 = vector.broadcast %erf_inv3A_293 : f32 to vector<64x1024xf32>
    %erf_inv3A_296 = vector.broadcast %erf_inv3A_294 : f32 to vector<64x1024xf32>
    %erf_inv3A_297 = arith.select %erf_inv3A_272, %erf_inv3A_295, %erf_inv3A_296 : vector<64x1024xi1>, vector<64x1024xf32>
    %erf_inv3A_298 = arith.mulf %erf_inv3A_292, %erf_inv3A_280 : vector<64x1024xf32>
    %erf_inv3A_299 = arith.addf %erf_inv3A_297, %erf_inv3A_298 : vector<64x1024xf32>
    %erf_inv3A_300 = arith.constant -4.39150654E-6 : f32
    %erf_inv3A_301 = arith.constant -0.00367342844 : f32
    %erf_inv3A_302 = vector.broadcast %erf_inv3A_300 : f32 to vector<64x1024xf32>
    %erf_inv3A_303 = vector.broadcast %erf_inv3A_301 : f32 to vector<64x1024xf32>
    %erf_inv3A_304 = arith.select %erf_inv3A_272, %erf_inv3A_302, %erf_inv3A_303 : vector<64x1024xi1>, vector<64x1024xf32>
    %erf_inv3A_305 = arith.mulf %erf_inv3A_299, %erf_inv3A_280 : vector<64x1024xf32>
    %erf_inv3A_306 = arith.addf %erf_inv3A_304, %erf_inv3A_305 : vector<64x1024xf32>
    %erf_inv3A_307 = arith.constant 2.1858087E-4 : f32
    %erf_inv3A_308 = arith.constant 0.00573950773 : f32
    %erf_inv3A_309 = vector.broadcast %erf_inv3A_307 : f32 to vector<64x1024xf32>
    %erf_inv3A_310 = vector.broadcast %erf_inv3A_308 : f32 to vector<64x1024xf32>
    %erf_inv3A_311 = arith.select %erf_inv3A_272, %erf_inv3A_309, %erf_inv3A_310 : vector<64x1024xi1>, vector<64x1024xf32>
    %erf_inv3A_312 = arith.mulf %erf_inv3A_306, %erf_inv3A_280 : vector<64x1024xf32>
    %erf_inv3A_313 = arith.addf %erf_inv3A_311, %erf_inv3A_312 : vector<64x1024xf32>
    %erf_inv3A_314 = arith.constant -0.00125372503 : f32
    %erf_inv3A_315 = arith.constant -0.0076224613 : f32
    %erf_inv3A_316 = vector.broadcast %erf_inv3A_314 : f32 to vector<64x1024xf32>
    %erf_inv3A_317 = vector.broadcast %erf_inv3A_315 : f32 to vector<64x1024xf32>
    %erf_inv3A_318 = arith.select %erf_inv3A_272, %erf_inv3A_316, %erf_inv3A_317 : vector<64x1024xi1>, vector<64x1024xf32>
    %erf_inv3A_319 = arith.mulf %erf_inv3A_313, %erf_inv3A_280 : vector<64x1024xf32>
    %erf_inv3A_320 = arith.addf %erf_inv3A_318, %erf_inv3A_319 : vector<64x1024xf32>
    %erf_inv3A_321 = arith.constant -0.00417768164 : f32
    %erf_inv3A_322 = arith.constant 0.00943887047 : f32
    %erf_inv3A_323 = vector.broadcast %erf_inv3A_321 : f32 to vector<64x1024xf32>
    %erf_inv3A_324 = vector.broadcast %erf_inv3A_322 : f32 to vector<64x1024xf32>
    %erf_inv3A_325 = arith.select %erf_inv3A_272, %erf_inv3A_323, %erf_inv3A_324 : vector<64x1024xi1>, vector<64x1024xf32>
    %erf_inv3A_326 = arith.mulf %erf_inv3A_320, %erf_inv3A_280 : vector<64x1024xf32>
    %erf_inv3A_327 = arith.addf %erf_inv3A_325, %erf_inv3A_326 : vector<64x1024xf32>
    %erf_inv3A_328 = arith.constant 0.246640727 : f32
    %erf_inv3A_329 = arith.constant 1.00167406 : f32
    %erf_inv3A_330 = vector.broadcast %erf_inv3A_328 : f32 to vector<64x1024xf32>
    %erf_inv3A_331 = vector.broadcast %erf_inv3A_329 : f32 to vector<64x1024xf32>
    %erf_inv3A_332 = arith.select %erf_inv3A_272, %erf_inv3A_330, %erf_inv3A_331 : vector<64x1024xi1>, vector<64x1024xf32>
    %erf_inv3A_333 = arith.mulf %erf_inv3A_327, %erf_inv3A_280 : vector<64x1024xf32>
    %erf_inv3A_334 = arith.addf %erf_inv3A_332, %erf_inv3A_333 : vector<64x1024xf32>
    %erf_inv3A_335 = arith.constant 1.50140941 : f32
    %erf_inv3A_336 = arith.constant 2.83297682 : f32
    %erf_inv3A_337 = vector.broadcast %erf_inv3A_335 : f32 to vector<64x1024xf32>
    %erf_inv3A_338 = vector.broadcast %erf_inv3A_336 : f32 to vector<64x1024xf32>
    %erf_inv3A_339 = arith.select %erf_inv3A_272, %erf_inv3A_337, %erf_inv3A_338 : vector<64x1024xi1>, vector<64x1024xf32>
    %erf_inv3A_340 = arith.mulf %erf_inv3A_334, %erf_inv3A_280 : vector<64x1024xf32>
    %erf_inv3A_341 = arith.addf %erf_inv3A_339, %erf_inv3A_340 : vector<64x1024xf32>
    %erf_inv3A_342 = math.absf %max3A_262 : vector<64x1024xf32>
    %erf_inv3A_343 = arith.constant 1.000000e+00 : f32
    %erf_inv3A_344 = vector.broadcast %erf_inv3A_343 : f32 to vector<64x1024xf32>
    %erf_inv3A_345 = arith.cmpf oeq, %erf_inv3A_342, %erf_inv3A_344 : vector<64x1024xf32>
    %erf_inv3A_346 = arith.constant 0x7F800000 : f32
    %erf_inv3A_347 = vector.broadcast %erf_inv3A_346 : f32 to vector<64x1024xf32>
    %erf_inv3A_348 = arith.mulf %erf_inv3A_347, %max3A_262 : vector<64x1024xf32>
    %erf_inv3A_349 = arith.mulf %erf_inv3A_341, %max3A_262 : vector<64x1024xf32>
    %erf_inv3A_350 = arith.select %erf_inv3A_345, %erf_inv3A_348, %erf_inv3A_349 : vector<64x1024xi1>, vector<64x1024xf32>
    %mul3A_351 = arith.constant 1.41421354 : f32
    %mul3A_352 = vector.broadcast %mul3A_351 : f32 to vector<64x1024xf32>
    %mul3A_353 = arith.mulf %mul3A_352, %erf_inv3A_350 : vector<64x1024xf32>
    %add3A_354 = arith.addf %add3A_17, %mul3A_353 : vector<64x1024xf32>
    %reshape3A = vector.shape_cast %add3A_354 : vector<64x1024xf32> to vector<1x64x1024xf32>
    %swap3A = arith.constant 0 : index
    %swap3A_355 = arith.constant 0 : index
    %swap3A_356 = arith.constant 0 : index
    %swap3A_357 = vector.load %arg4[%swap3A, %swap3A_355, %swap3A_356] : memref<1x64x1024xf32, #tpu.memory_space<vmem>>, vector<1x64x1024xf32>
    tpu.vector_store %arg4[%swap3A, %swap3A_355, %swap3A_356], %reshape3A {strides = array<i32>} : memref<1x64x1024xf32, #tpu.memory_space<vmem>>, vector<1x64x1024xf32>,
    return
  }
  func.func @transform_0(%arg0: i32) -> (i32, i32) {
    %c0_i32 = arith.constant 0 : i32
    %c0_i32_0 = arith.constant 0 : i32
    return %arg0, %c0_i32 : i32, i32
  }
  func.func @transform_1(%arg0: i32) -> (i32, i32) {
    %c0_i32 = arith.constant 0 : i32
    %c0_i32_0 = arith.constant 0 : i32
    %c0_i32_1 = arith.constant 0 : i32
    return %c0_i32, %c0_i32_0 : i32, i32
  }
  func.func @transform_2(%arg0: i32) -> (i32, i32) {
    %c0_i32 = arith.constant 0 : i32
    %c0_i32_0 = arith.constant 0 : i32
    %c0_i32_1 = arith.constant 0 : i32
    return %c0_i32, %c0_i32_0 : i32, i32
  }
  func.func @transform_3(%arg0: i32) -> (i32, i32, i32) {
    %c0_i32 = arith.constant 0 : i32
    %c0_i32_0 = arith.constant 0 : i32
    %c0_i32_1 = arith.constant 0 : i32
    return %arg0, %c0_i32, %c0_i32_0 : i32, i32, i32
  }
}

</mosaic_0001>

<sc_bundles>
// kernel: kernel.4.cloned.1.call-start
scs
__scs_entry_jumppad:
0x0: {  	(pc) =	sbr.rel $0x88, $3  }
0x1: {  	(tag) =	ssettag $0x0;
	lr =	simm.s32 $0x1  }
0x2: {  	[smem:$0x3F9E] =	sst lr;
	_ =	strace $0xD0000000  }
0x3: {  	_ = 	snop  }
0x4: {  	_ = 	snop  }
0x5: {  	_ = 	snop  }
0x6: {  	_ = 	snop  }
0x7: {  	_ = 	snop  }
__scs_overlays_trampoline_lowered:
0x8: {  	[smem:$0x3FAD] =	sst s0  }
0x9: {  	[smem:$0x3FAE] =	sst s1  }
0xa: {  	[smem:$0x3FAF] =	sst s2  }
0xb: {  	[smem:$0x3FB0] =	sst s3  }
0xc: {  	[smem:$0x3FB1] =	sst s4  }
0xd: {  	[smem:$0x3FB2] =	sst s5  }
0xe: {  	[smem:$0x3FB3] =	sst s6  }
0xf: {  	[smem:$0x3FB4] =	sst s7  }
0x10: {  	[smem:$0x3FB5] =	sst s8  }
0x11: {  	[smem:$0x3FB6] =	sst s9;
	s0 =	simm.s32 @!p0 $0x0  }
0x12: {  	s1 =	sld [smem:$0x3F9C];
	s0 =	simm.s32 @p0 $0x1  }
0x13: {  	[smem:$0x3FB7] =	sst s0;
	s0 =	simm.s32 @!p1 $0x0  }
0x14: {  	s2 =	sld [smem:$0x3F9B];
	s0 =	simm.s32 @p1 $0x1  }
0x15: {  	[smem:$0x3FB8] =	sst s0;
	s0 =	simm.s32 @!p2 $0x0  }
0x16: {  	s3 =	sld [smem:$0x3FDB];
	s0 =	simm.s32 @p2 $0x1  }
0x17: {  	s4 =	simm.s32 $0x1BF5;
	[smem:$0x3FBA] =	sst s0  }
0x18: {  	s0 =	sld [smem:$0x3F9D];
	_ =	swait.ge [sflag:s4], $0x0  }
0x19: {  	s7 =	sld [smem:$0x3F9E]  }
0x1a: {  	s8 =	sadd.s32 $0xFFFFE003, lr  }
0x1b: {  	s9 =	sadd.s32 $0xFFFFFEF7, lr;
	s5 =	simm.s32 $0xFFFFFFFF;
	p2 =	slt.u32 s8, $0xFFFFF086  }
0x1c: {  	p1 =	slt.u32 s9, $0xF7A;
	s5 =	simm.s32 @!p2 $0x0  }
0x1d: {  	s5 =	simm.s32 @p1 $0x1;
	p0 =	seq.s32 s7, s2  }
0x1e: {  	s7 =	smul.u32 @!p0 $0xF7A, s2;
	p2 =	seq.s32 @!p0 s5, $0x0  }
0x1f: {  	s9 =	smul.u32 $0xF7A, s1;
	s8 =	simm.s32 @!p0 $0x1BF5;
	p2 =	por !p2, p0  }
0x20: {  	[sflag:s8] =	ssyncset.s32 @!p0 $0xFFFFF086;
	s6 =	sadd.s32 @!p0 s3, s7;
	s7 =	simm.s32 @!p0 $0x108  }
0x21: {  	s3 =	sadd.s32 s3, s9;
	s6 =	sadd.s32 @!p0 $0x88, s6;
	s7 =	simm.s32 @p2 $0x1082  }
0x22: {  	[simem:s7], [sflag:s8] =	dma.local @!p0 [hbm:s6], $0xF7A  }
0x23: {  	s9 =	sor.u32 $0xD0000000, s2;
	s6 =	simm.s32 $0x108;
	_ =	swait.ge @!p0 [sflag:s8], $0x0  }
0x24: {  	s3 =	sadd.s32 $0x88, s3;
	s6 =	simm.s32 @!p1 $0x1082;
	[sflag:s4] =	ssyncset.s32 $0xFFFFF086  }
0x25: {  	[simem:s6], [sflag:s4] =	dma.local [hbm:s3], $0xF7A  }
0x26: {  	[smem:$0x3F9E] =	sst s1;
	(tag) =	ssettag s2;
	_ =	strace s9  }
0x27: {  	s1 =	sld [smem:$0x3FAE]  }
0x28: {  	s2 =	sld [smem:$0x3FAF]  }
0x29: {  	s4 =	sld [smem:$0x3FB1]  }
0x2a: {  	p0 =	seq.s32 s5, $0x0;
	s5 =	sld [smem:$0x3FB2]  }
0x2b: {  	s6 =	sld [smem:$0x3FB3]  }
0x2c: {  	s7 =	sld [smem:$0x3FB4]  }
0x2d: {  	s3 =	simm.s32 $0x108;
	s8 =	sld [smem:$0x3FB5]  }
0x2e: {  	s3 =	simm.s32 @!p0 $0x1082;
	s9 =	sld [smem:$0x3FB6]  }
0x2f: {  	lr =	sadd.s32 s0, s3;
	s0 =	sld [smem:$0x3FAD]  }
0x30: {  	s3 =	sld [smem:$0x3FB0]  }
0x31: {  	[smem:$0x3FB9] =	sst s10  }
0x32: {  	s10 =	sld [smem:$0x3FB7];
	_ =	sdelay $0x3  }
0x33: {  	p0 =	seq.s32 s10, $0x1;
	s10 =	sld [smem:$0x3FB9];
	_ =	sdelay $0x3  }
0x34: {  	[smem:$0x3FB9] =	sst s10  }
0x35: {  	s10 =	sld [smem:$0x3FB8];
	_ =	sdelay $0x3  }
0x36: {  	p1 =	seq.s32 s10, $0x1;
	s10 =	sld [smem:$0x3FB9];
	_ =	sdelay $0x3  }
0x37: {  	[smem:$0x3FB9] =	sst s10  }
0x38: {  	s10 =	sld [smem:$0x3FBA]  }
0x39: {  	_ = 	snop;
	(pc) =	sbr.ind lr, $3  }
0x3a: {  	_ = 	snop  }
0x3b: {  	_ = 	snop  }
0x3c: {  	p2 =	seq.s32 s10, $0x1;
	s10 =	sld [smem:$0x3FB9]  }
0x3d: {  	_ =	shalt  }
0x3e: {  	_ =	shalt  }
0x3f: {  	_ =	shalt  }
0x40: {  	_ =	shalt  }
0x41: {  	_ =	shalt  }
0x42: {  	_ =	shalt  }
0x43: {  	_ =	shalt  }
0x44: {  	_ =	shalt  }
0x45: {  	_ =	shalt  }
0x46: {  	_ =	shalt  }
0x47: {  	_ =	shalt  }
0x48: {  	_ =	shalt  }
0x49: {  	_ =	shalt  }
0x4a: {  	_ =	shalt  }
0x4b: {  	_ =	shalt  }
0x4c: {  	_ =	shalt  }
0x4d: {  	_ =	shalt  }
0x4e: {  	_ =	shalt  }
0x4f: {  	_ =	shalt  }
0x50: {  	_ =	shalt  }
0x51: {  	_ =	shalt  }
0x52: {  	_ =	shalt  }
0x53: {  	_ =	shalt  }
0x54: {  	_ =	shalt  }
0x55: {  	_ =	shalt  }
0x56: {  	_ =	shalt  }
0x57: {  	_ =	shalt  }
0x58: {  	_ =	shalt  }
0x59: {  	_ =	shalt  }
0x5a: {  	_ =	shalt  }
0x5b: {  	_ =	shalt  }
0x5c: {  	_ =	shalt  }
0x5d: {  	_ =	shalt  }
0x5e: {  	_ =	shalt  }
0x5f: {  	_ =	shalt  }
0x60: {  	_ =	shalt  }
0x61: {  	_ =	shalt  }
0x62: {  	_ =	shalt  }
0x63: {  	_ =	shalt  }
0x64: {  	_ =	shalt  }
0x65: {  	_ =	shalt  }
0x66: {  	_ =	shalt  }
0x67: {  	_ =	shalt  }
0x68: {  	_ =	shalt  }
0x69: {  	_ =	shalt  }
0x6a: {  	_ =	shalt  }
0x6b: {  	_ =	shalt  }
0x6c: {  	_ =	shalt  }
0x6d: {  	_ =	shalt  }
0x6e: {  	_ =	shalt  }
0x6f: {  	_ =	shalt  }
0x70: {  	_ =	shalt  }
0x71: {  	_ =	shalt  }
0x72: {  	_ =	shalt  }
0x73: {  	_ =	shalt  }
0x74: {  	_ =	shalt  }
0x75: {  	_ =	shalt  }
0x76: {  	_ =	shalt  }
0x77: {  	_ =	shalt  }
0x78: {  	_ =	shalt  }
0x79: {  	_ =	shalt  }
0x7a: {  	_ =	shalt  }
0x7b: {  	_ =	shalt  }
0x7c: {  	_ =	shalt  }
0x7d: {  	_ =	shalt  }
0x7e: {  	_ =	shalt  }
0x7f: {  	_ =	shalt  }
0x80: {  	_ =	shalt  }
0x81: {  	_ =	shalt  }
0x82: {  	_ =	shalt  }
0x83: {  	_ =	shalt  }
0x84: {  	_ =	shalt  }
0x85: {  	_ =	shalt  }
0x86: {  	_ =	shalt  }
0x87: {  	_ =	shalt  }
.Lfunc_end0:
.L_simem_size_0:
called_computation_lowered:
.L_overlay_start_0:
0x88: {  	s2 =	sld [smem:$0x3FD9]  }
0x89: {  	s3 =	sld [smem:$0x3FFE];
	_ =	sdelay $0x1  }
0x8a: {  	s1 =	srdreg.scid  }
0x8b: {  	s0 =	sand.u32 $0x1, s1  }
0x8c: {  	s17 =	sshll.u32 s0, $0xA;
	s2 =	sadd.s32 s3, s2  }
0x8d: {  	s2 =	sadd.s32 s2, s17  }
0x8e: {  	[smem:$0x3FC5] =	sst s2  }
0x8f: {  	_ = 	snop  }
0x90: {  	s2 =	sld [smem:$0x3FD0];
	(tm) =	ssettm $0x1  }
0x91: {  	s18 =	sld [smem:$0x3FFB];
	_ =	sdelay $0x3  }
0x92: {  	_ =	strace s18  }
0x93: {  	s3 =	sld [smem:$0x3FFC];
	_ =	sdelay $0x3  }
0x94: {  	_ =	strace s3  }
0x95: {  	s3 =	sld [smem:$0x3FFD];
	_ =	sdelay $0x3  }
0x96: {  	_ =	strace s3  }
0x97: {  	_ =	strace $0x8FFFFFFF  }
0x98: {  	s19 =	sld [smem:$0x3FDB];
	_ =	sdelay $0x1  }
0x99: {  	s4 =	simm.s32 $_scs_section_size  }
0x9a: {  	s5 =	simm.s32 $_size__tile_overlayer_lowered;
	s6 =	simm.s32 $_tile_overlayer_lowered  }
0x9b: {  	s22 =	simm.s32 $0x1BFF;
	s21 =	sshll.u32 s6, $0x1;
	s3 =	sadd.s32 s4, s19  }
0x9c: {  	s7 =	simm.s32 $0x0;
	s20 =	sshll.u32 s5, $0x1;
	s5 =	sadd.s32 s21, s3  }
0x9d: {  	[timem:s7], [sflag:s22] =	dma.local [hbm:s5], s20  }
0x9e: {  	_ =	swait.ge [sflag:s22], s20  }
0x9f: {  	s4 =	ssub.s32 $0x0, s20;
	[sflag:s22] =	ssyncset.done $0x0  }
0xa0: {  	[sflag:s22] =	ssyncadd.s32 s4;
	_ =	sdelay $0x1  }
0xa1: {  	s23 =	simm.s32 $0x1B8B  }
0xa2: {  	_ =	swait.ge [sflag:s23], $0x1  }
0xa3: {  	[sflag:s23] =	ssyncset.done $0x0  }
0xa4: {  	s25 =	simm.s32 $0x1B8E;
	s24 =	sld [smem:$0x3FFE];
	[sflag:s23] =	ssyncadd.s32 $0xFFFFFFFF  }
0xa5: {  	s26 =	simm.s32 $execute0_lowered;
	[smem:$0x3FD2] =	sst s25  }
0xa6: {  	s5 =	sshll.u32 s26, $0x1;
	_ =	strace $0x80000046;
	[dreg:$0x1] =	wrdreg $0xFFFFFFFF  }
0xa7: {  	s28 =	simm.s32 $_size_execute0_lowered;
	s3 =	sadd.s32 s3, s5;
	[dreg:$0x0] =	wrdreg $0x0  }
0xa8: {  	s5 =	sshll.u32 s28, $0x1;
	[dreg:$0x2] =	wrdreg s3  }
0xa9: {  	[dreg:$0x3] =	wrdreg s5  }
0xaa: {  	[dreg:$0x4] =	wrdreg $0xC0  }
0xab: {  	_ =	task [dreg:s7], $0x5FFFF  }
0xac: {  	[dreg:$0x1] =	wrdreg $0xFFFFFFFF  }
0xad: {  	[dreg:$0x0] =	wrdreg $0x60  }
0xae: {  	[dreg:$0x2] =	wrdreg s2  }
0xaf: {  	[dreg:$0x3] =	wrdreg s24  }
0xb0: {  	[dreg:$0x4] =	wrdreg $0x9  }
0xb1: {  	_ =	task.clear_ibuf [dreg:s7], $0x5FFFF;
	_ =	strace $0x90000046  }
0xb2: {  	s29 =	simm.s32 $0x9;
	_ =	strace $0x80000048  }
0xb3: {  	_ =	swait.ge [sflag:s29], $0x1  }
0xb4: {  	[sflag:s29] =	ssyncadd.s32 $0xFFFFFFFF  }
0xb5: {  	_ =	strace $0x90000048  }
0xb6: {  	_ =	sfence  }
0xb7: {  	s30 =	sld [smem:$0x0];
	_ =	sdelay $0x2  }
0xb8: {  	s31 =	sshll.u32 s1, $0xD;
	s1 =	sshrl.u32 s1, $0x2  }
0xb9: {  	s3 =	sand.u32 $0x4000, s31;
	s1 =	sadd.s32 s1, s30  }
0xba: {  	s0 =	sor.u32 s3, s0;
	s1 =	sshll.u32 s1, $0x11  }
0xbb: {  	s0 =	sor.u32 s1, s0  }
0xbc: {  	s0 =	sadd.s32 $0x8F2B, s0  }
0xbd: {  	[sflag:s0] =	ssyncadd.remote.s32 $0x1  }
0xbe: {  	_ =	sfence.sel $0xFFFF  }
0xbf: {  	[dreg:$0x0] =	wrdreg $0xFFFFFFFF;
	(pc) =	sbr.abs _section_cstart, $3  }
0xc0: {  	[dreg:$0x1] =	wrdreg $0xFFFFFFFF  }
0xc1: {  	_ =	task.clear_ibuf [dreg:s7], $0x2FFFF;
	_ =	strace $0x9FFFFFFF  }
0xc2: {  	(tm) =	ssettm $0x7FFFFFFF  }
0xc3: {  	_ =	shalt  }
tec
execute0_lowered:
.L_overlay_start_1:
0x0: {  	(tag) =	ssettag $0x1  }
0x1: {  	s1 =	srdreg.scid;
	s0 =	stileid.u32  }
0x2: {  	s3 =	sand.u32 $0x1, s1;
	s29 =	sshll.u32 s0, $0x1  }
0x3: {  	s4 =	sor.u32 s3, s29  }
0x4: {  	s5 =	rddreg [dreg:$0x0];
	p1 =	seq.s32 s3, $0x1;
	p0 =	seq.s32 s4, $0x0  }
0x5: {  	s6 =	rddreg [dreg:$0x1];
	s7 =	simm.s32 $0x1;
	p0 =	por !p0, !p1  }
0x6: {  	s2 =	simm.s32 $0x0;
	s9 =	simm.s32 $0x8000;
	p0 =	por !p0, !p0  }
0x7: {  	s10 =	simm.s32 $0x0;
	[smem:$0x7FF] =	sst s2;
	s7 =	simm.s32 @!p0 $0x0  }
0x8: {  	s1 =	rddreg [dreg:$0x2];
	_ =	strace $0x80000047;
	s7 =	ssub.s32 s0, s7  }
0x9: {  	s8 =	sshll.u32 s3, $0xC;
	s3 =	ssub.s32 $0x2, s3;
	s7 =	sshll.u32 s7, $0x10  }
0xa: {  	s4 =	sshll.u32 s4, $0xC;
	s30 =	sshrl.u32 s3, $0x1;
	s7 =	sor.u32 s8, s7  }
0xb: {  	s6 =	sadd.s32 s4, s6;
	s31 =	ssub.s32 s3, s30;
	s7 =	sshrl.u32 s7, $0x3  }
0xc: {  	v2 =	vlaneseq.u32;
	s3 =	simm.s32 $0x1;
	s8 =	simm.s32 $0x2000;
	s4 =	sadd.s32 s5, s7  }
0xd: {  	v0 =	vimm.f32 $0.0e+00;
	v1 =	vimm.s32 $0x0;
	v2 =	vmul.u32 $0x40, v2;
	s5 =	sadd.s32 $0x800, s6;
	s6 =	smax.u32 s31, $0x1;
	s7 =	simm.s32 $0x1000  }
.LBB2_1:
0xe: {  	[tilespmem:s2], [sflag:$0x1] =	stream.strided.gather [hbm4b:s4+s7], $0x8000, s8, s7, $0x38;
	[tilespmem:$0x10000] =	vst v63  }
0xf: {  	_ =	swait.ge [sflag:s3], $0x8000  }
0x10: {  	s11 =	simm.s32 $0x8200;
	[sflag:s3] =	ssyncset.done $0x0  }
0x11: {  	s12 =	simm.s32 $0x0;
	s13 =	simm.s32 $0x0;
	[sflag:s3] =	ssyncadd.s32 $0xFFFF8000  }
.LBB2_2:
0x12: {  	[tilespmem:s11+$0xFFFFFE00] =	vst v0  }
0x13: {  	[tilespmem:s11+$0xFFFFFE10] =	vst v0  }
0x14: {  	[tilespmem:s11+$0xFFFFFE20] =	vst v0  }
0x15: {  	[tilespmem:s11+$0xFFFFFE30] =	vst v0  }
0x16: {  	[tilespmem:s11+$0xFFFFFE40] =	vst v0  }
0x17: {  	[tilespmem:s11+$0xFFFFFE50] =	vst v0  }
0x18: {  	[tilespmem:s11+$0xFFFFFE60] =	vst v0  }
0x19: {  	[tilespmem:s11+$0xFFFFFE70] =	vst v0  }
0x1a: {  	[tilespmem:s11+$0xFFFFFE80] =	vst v0  }
0x1b: {  	[tilespmem:s11+$0xFFFFFE90] =	vst v0  }
0x1c: {  	[tilespmem:s11+$0xFFFFFEA0] =	vst v0  }
0x1d: {  	[tilespmem:s11+$0xFFFFFEB0] =	vst v0  }
0x1e: {  	[tilespmem:s11+$0xFFFFFEC0] =	vst v0  }
0x1f: {  	[tilespmem:s11+$0xFFFFFED0] =	vst v0  }
0x20: {  	[tilespmem:s11+$0xFFFFFEE0] =	vst v0  }
0x21: {  	[tilespmem:s11+$0xFFFFFEF0] =	vst v0  }
0x22: {  	[tilespmem:s11+$0xFFFFFF00] =	vst v0  }
0x23: {  	[tilespmem:s11+$0xFFFFFF10] =	vst v0  }
0x24: {  	[tilespmem:s11+$0xFFFFFF20] =	vst v0  }
0x25: {  	[tilespmem:s11+$0xFFFFFF30] =	vst v0  }
0x26: {  	[tilespmem:s11+$0xFFFFFF40] =	vst v0  }
0x27: {  	[tilespmem:s11+$0xFFFFFF50] =	vst v0  }
0x28: {  	[tilespmem:s11+$0xFFFFFF60] =	vst v0  }
0x29: {  	[tilespmem:s11+$0xFFFFFF70] =	vst v0  }
0x2a: {  	[tilespmem:s11+$0xFFFFFF80] =	vst v0  }
0x2b: {  	[tilespmem:s11+$0xFFFFFF90] =	vst v0  }
0x2c: {  	[tilespmem:s11+$0xFFFFFFA0] =	vst v0  }
0x2d: {  	[tilespmem:s11+$0xFFFFFFB0] =	vst v0  }
0x2e: {  	[tilespmem:s11+$0xFFFFFFC0] =	vst v0  }
0x2f: {  	[tilespmem:s11+$0xFFFFFFD0] =	vst v0  }
0x30: {  	[tilespmem:s11+$0xFFFFFFE0] =	vst v0  }
0x31: {  	[tilespmem:s11+$0xFFFFFFF0] =	vst v0  }
0x32: {  	[tilespmem:s11+$0x0] =	vst v0  }
0x33: {  	[tilespmem:s11+$0x10] =	vst v0  }
0x34: {  	[tilespmem:s11+$0x20] =	vst v0  }
0x35: {  	[tilespmem:s11+$0x30] =	vst v0  }
0x36: {  	[tilespmem:s11+$0x40] =	vst v0  }
0x37: {  	[tilespmem:s11+$0x50] =	vst v0  }
0x38: {  	[tilespmem:s11+$0x60] =	vst v0  }
0x39: {  	[tilespmem:s11+$0x70] =	vst v0  }
0x3a: {  	[tilespmem:s11+$0x80] =	vst v0  }
0x3b: {  	[tilespmem:s11+$0x90] =	vst v0  }
0x3c: {  	[tilespmem:s11+$0xA0] =	vst v0  }
0x3d: {  	[tilespmem:s11+$0xB0] =	vst v0  }
0x3e: {  	[tilespmem:s11+$0xC0] =	vst v0  }
0x3f: {  	[tilespmem:s11+$0xD0] =	vst v0  }
0x40: {  	[tilespmem:s11+$0xE0] =	vst v0  }
0x41: {  	[tilespmem:s11+$0xF0] =	vst v0  }
0x42: {  	[tilespmem:s11+$0x100] =	vst v0  }
0x43: {  	[tilespmem:s11+$0x110] =	vst v0  }
0x44: {  	[tilespmem:s11+$0x120] =	vst v0  }
0x45: {  	[tilespmem:s11+$0x130] =	vst v0  }
0x46: {  	[tilespmem:s11+$0x140] =	vst v0  }
0x47: {  	[tilespmem:s11+$0x150] =	vst v0  }
0x48: {  	[tilespmem:s11+$0x160] =	vst v0  }
0x49: {  	[tilespmem:s11+$0x170] =	vst v0  }
0x4a: {  	[tilespmem:s11+$0x180] =	vst v0  }
0x4b: {  	[tilespmem:s11+$0x190] =	vst v0  }
0x4c: {  	[tilespmem:s11+$0x1A0] =	vst v0  }
0x4d: {  	[tilespmem:s11+$0x1B0] =	vst v0  }
0x4e: {  	[tilespmem:s11+$0x1C0] =	vst v0  }
0x4f: {  	[tilespmem:s11+$0x1D0] =	vst v0  }
0x50: {  	[tilespmem:s11+$0x1E0] =	vst v0;
	s14 =	sand.u32 $0x70, s13;
	s15 =	sand.u32 $0xC00, s12  }
0x51: {  	[tilespmem:s11+$0x1F0] =	vst v0;
	s14 =	sor.u32 s14, s15  }
0x52: {  	v3 =	vld [tilespmem:s14+$0x0]  }
0x53: {  	v4 =	vld [tilespmem:s14+$0x80];
	_ =	sdelay $0x3  }
0x54: {  	v5 =	vld [tilespmem:s14+$0x100];
	vm0 =	vgt.f32 v3, $-Inf  }
0x55: {  	vm1 =	vlt.f32 v4, $-Inf;
	vm2 =	vgt.f32 v4, $-Inf;
	v3 =	vnsel vm0, $0xFF800000, v3  }
0x56: {  	vm1 =	vmor vm2, vm1;
	vm0 =	vgt.f32 v4, v3  }
0x57: {  	v7 =	vld [tilespmem:s14+$0x180];
	v6 =	vnsel vm1, $0xFF800000, v4;
	vm3 =	vmneg vm0  }
0x58: {  	v6 =	vsel vm3, v6, v3  }
0x59: {  	v3 =	vsel vm3, v3, v4;
	vm15 =	vgt.f32 v5, v6  }
0x5a: {  	v9 =	vld [tilespmem:s14+$0x200];
	vm4 =	vgt.f32 v5, v3;
	v6 =	vsel vm15, v5, v6  }
0x5b: {  	v43 =	vsel vm0, $0x1, v1;
	v6 =	vsel vm4, v3, v6  }
0x5c: {  	vm1 =	vmand vm1, vm3;
	v3 =	vsel vm4, v5, v3;
	vm5 =	vgt.f32 v7, v6  }
0x5d: {  	v46 =	vld [tilespmem:s14+$0x280];
	v8 =	vsel vm1, $0x1, v1;
	vm6 =	vgt.f32 v7, v3;
	v44 =	vsel vm5, v7, v6  }
0x5e: {  	v8 =	vsel vm15, $0x2, v8;
	v4 =	vsel vm4, $0x2, v43;
	v5 =	vsel vm6, v3, v44  }
0x5f: {  	v8 =	vsel vm4, v43, v8;
	v3 =	vsel vm6, v7, v3;
	vm7 =	vgt.f32 v9, v5  }
0x60: {  	v47 =	vld [tilespmem:s14+$0x300];
	v45 =	vsel vm5, $0x3, v8;
	vm8 =	vgt.f32 v9, v3;
	v5 =	vsel vm7, v9, v5  }
0x61: {  	s31 =	sor.u32 s12, s13;
	v6 =	vsel vm6, v4, v45;
	v5 =	vsel vm8, v3, v5  }
0x62: {  	s15 =	sor.u32 $0x380, s31;
	v4 =	vsel vm6, $0x3, v4;
	v3 =	vsel vm8, v9, v3;
	vm9 =	vgt.f32 v46, v5  }
0x63: {  	v48 =	vld [tilespmem:s15+$0x0];
	v6 =	vsel vm7, $0x4, v6;
	vm10 =	vgt.f32 v46, v3;
	v5 =	vsel vm9, v46, v5  }
0x64: {  	v6 =	vsel vm8, v4, v6;
	v5 =	vsel vm10, v3, v5  }
0x65: {  	v4 =	vsel vm8, $0x4, v4;
	v3 =	vsel vm10, v46, v3;
	vm11 =	vgt.f32 v47, v5  }
0x66: {  	v49 =	vld [tilespmem:s14+$0x1000];
	v6 =	vsel vm9, $0x5, v6;
	vm12 =	vgt.f32 v47, v3;
	v5 =	vsel vm11, v47, v5  }
0x67: {  	v40 =	vimm.s32 $0x0;
	v6 =	vsel vm10, v4, v6;
	v5 =	vsel vm12, v3, v5  }
0x68: {  	v4 =	vsel vm10, $0x5, v4;
	v3 =	vsel vm12, v47, v3;
	vm13 =	vgt.f32 v48, v5  }
0x69: {  	v50 =	vld [tilespmem:s14+$0x1080];
	v6 =	vsel vm11, $0x6, v6;
	vm14 =	vgt.f32 v48, v3;
	v5 =	vsel vm13, v48, v5  }
0x6a: {  	v6 =	vsel vm12, v4, v6;
	v4 =	vsel vm12, $0x6, v4;
	v5 =	vsel vm14, v3, v5  }
0x6b: {  	v56 =	vld [tilespmem:s14+$0x2080];
	v6 =	vsel vm13, $0x7, v6;
	v3 =	vsel vm14, v48, v3;
	vm15 =	vgt.f32 v49, v5  }
0x6c: {  	v51 =	vld [tilespmem:s14+$0x1100];
	v6 =	vsel vm14, v4, v6;
	vm4 =	vgt.f32 v49, v3;
	v5 =	vsel vm15, v49, v5  }
0x6d: {  	v10 =	vld [tilespmem:s14+$0x2000];
	v4 =	vsel vm14, $0x7, v4;
	v6 =	vsel vm15, $0x8, v6;
	v5 =	vsel vm4, v3, v5  }
0x6e: {  	v6 =	vsel vm4, v4, v6;
	v3 =	vsel vm4, v49, v3;
	vm5 =	vgt.f32 v50, v5  }
0x6f: {  	v4 =	vsel vm4, $0x8, v4;
	vm6 =	vgt.f32 v50, v3;
	v5 =	vsel vm5, v50, v5  }
0x70: {  	vm4 =	vgt.f32 v56, $-Inf;
	v6 =	vsel vm5, $0x9, v6;
	v5 =	vsel vm6, v3, v5  }
0x71: {  	v52 =	vld [tilespmem:s14+$0x1180];
	v6 =	vsel vm6, v4, v6;
	v3 =	vsel vm6, v50, v3;
	v4 =	vsel vm6, $0x9, v4  }
0x72: {  	vm6 =	vlt.f32 v10, $-Inf;
	vm7 =	vgt.f32 v51, v5;
	vm8 =	vgt.f32 v51, v3  }
0x73: {  	v5 =	vsel vm7, v51, v5;
	v6 =	vsel vm7, $0xA, v6;
	vm7 =	vgt.f32 v10, $-Inf  }
0x74: {  	v5 =	vsel vm8, v3, v5;
	v6 =	vsel vm8, v4, v6;
	v3 =	vsel vm8, v51, v3  }
0x75: {  	v53 =	vld [tilespmem:s14+$0x1200];
	v4 =	vsel vm8, $0xA, v4;
	vm2 =	vmor vm7, vm6;
	vm8 =	vlt.f32 v56, $-Inf  }
0x76: {  	vm9 =	vgt.f32 v52, v5;
	vm10 =	vgt.f32 v52, v3;
	v10 =	vnsel vm2, $0xFF800000, v10  }
0x77: {  	v11 =	vsel vm2, $0x10, v1;
	v5 =	vsel vm9, v52, v5;
	v6 =	vsel vm9, $0xB, v6  }
0x78: {  	v57 =	vld [tilespmem:s14+$0x2100];
	vm9 =	vmor vm4, vm8;
	v5 =	vsel vm10, v3, v5;
	v6 =	vsel vm10, v4, v6  }
0x79: {  	v3 =	vsel vm10, v52, v3;
	v4 =	vsel vm10, $0xB, v4;
	vm10 =	vgt.f32 v56, v10  }
0x7a: {  	v12 =	vnsel vm9, $0xFF800000, v56;
	v13 =	vsel vm9, $0x11, v1;
	vm11 =	vgt.f32 v53, v5  }
0x7b: {  	v54 =	vld [tilespmem:s14+$0x1280];
	vm12 =	vgt.f32 v53, v3;
	v12 =	vsel vm10, v10, v12;
	v13 =	vsel vm10, v11, v13  }
0x7c: {  	v7 =	vsel vm10, v56, v10;
	v58 =	vsel vm10, $0x11, v11;
	v5 =	vsel vm11, v53, v5  }
0x7d: {  	v6 =	vsel vm11, $0xC, v6;
	vm11 =	vgt.f32 v57, v12;
	v5 =	vsel vm12, v3, v5  }
0x7e: {  	v14 =	vld [tilespmem:s14+$0x2180];
	v6 =	vsel vm12, v4, v6;
	v3 =	vsel vm12, v53, v3;
	v4 =	vsel vm12, $0xC, v4  }
0x7f: {  	vm12 =	vgt.f32 v57, v7;
	v59 =	vsel vm11, v57, v12;
	v60 =	vsel vm11, $0x12, v13  }
0x80: {  	vm13 =	vgt.f32 v54, v5;
	vm14 =	vgt.f32 v54, v3;
	v11 =	vsel vm12, v7, v59  }
0x81: {  	v55 =	vld [tilespmem:s14+$0x1300];
	v12 =	vsel vm12, v58, v60;
	v7 =	vsel vm12, v57, v7;
	v62 =	vsel vm12, $0x12, v58  }
0x82: {  	v57 =	vimm.s32 $0x0;
	v60 =	vimm.s32 $0x0;
	v5 =	vsel vm13, v54, v5  }
0x83: {  	v61 =	vld [tilespmem:s14+$0x2200];
	v6 =	vsel vm13, $0xD, v6;
	vm13 =	vgt.f32 v14, v11;
	v5 =	vsel vm14, v3, v5  }
0x84: {  	v6 =	vsel vm14, v4, v6;
	v3 =	vsel vm14, v54, v3;
	v4 =	vsel vm14, $0xD, v4  }
0x85: {  	vm14 =	vgt.f32 v14, v7;
	v63 =	vsel vm13, v14, v11;
	v16 =	vsel vm13, $0x13, v12  }
0x86: {  	v20 =	vld [tilespmem:s14+$0x1380];
	vm0 =	vgt.f32 v55, v3;
	vm15 =	vgt.f32 v55, v5;
	v10 =	vsel vm14, v7, v63  }
0x87: {  	v11 =	vsel vm14, v62, v16;
	v7 =	vsel vm14, v14, v7;
	v9 =	vsel vm14, $0x13, v62  }
0x88: {  	v17 =	vld [tilespmem:s14+$0x2280];
	v5 =	vsel vm15, v55, v5;
	v6 =	vsel vm15, $0xE, v6;
	vm15 =	vgt.f32 v61, v10  }
0x89: {  	vm4 =	vgt.f32 v61, v7;
	v8 =	vsel vm0, v55, v3;
	v5 =	vsel vm0, v3, v5  }
0x8a: {  	v6 =	vsel vm0, v4, v6;
	v10 =	vsel vm15, v61, v10;
	v11 =	vsel vm15, $0x14, v11  }
0x8b: {  	v18 =	vld [tilespmem:s14+$0x2300];
	v4 =	vsel vm0, $0xE, v4;
	vm0 =	vgt.f32 v20, v8;
	v3 =	vsel vm4, v7, v10  }
0x8c: {  	v19 =	vsel vm4, v9, v11;
	v7 =	vsel vm4, v61, v7;
	v9 =	vsel vm4, $0x14, v9  }
0x8d: {  	vm11 =	vgt.f32 v20, v5;
	v61 =	vimm.s32 $0x0;
	vm5 =	vgt.f32 v17, v3  }
0x8e: {  	v21 =	vld [tilespmem:s14+$0x2380];
	vm6 =	vgt.f32 v17, v7;
	v3 =	vsel vm5, v17, v3;
	v10 =	vsel vm5, $0x15, v19  }
0x8f: {  	v5 =	vsel vm11, v20, v5;
	v3 =	vsel vm6, v7, v3;
	v10 =	vsel vm6, v9, v10  }
0x90: {  	v7 =	vsel vm6, v17, v7;
	v9 =	vsel vm6, $0x15, v9;
	vm7 =	vgt.f32 v18, v3  }
0x91: {  	v22 =	vld [tilespmem:s14+$0x3000];
	vm8 =	vgt.f32 v18, v7;
	v3 =	vsel vm7, v18, v3;
	v10 =	vsel vm7, $0x16, v10  }
0x92: {  	v15 =	vsel vm11, $0xF, v6;
	v3 =	vsel vm8, v7, v3;
	v10 =	vsel vm8, v9, v10  }
0x93: {  	v34 =	vld [tilespmem:s14+$0x4000];
	v7 =	vsel vm8, v18, v7;
	v9 =	vsel vm8, $0x16, v9;
	vm9 =	vgt.f32 v21, v3  }
0x94: {  	v23 =	vld [tilespmem:s14+$0x3080];
	vm10 =	vgt.f32 v21, v7;
	v3 =	vsel vm9, v21, v3;
	v10 =	vsel vm9, $0x17, v10  }
0x95: {  	v6 =	vsel vm0, v8, v5;
	v3 =	vsel vm10, v7, v3;
	v10 =	vsel vm10, v9, v10  }
0x96: {  	v7 =	vsel vm10, v21, v7;
	v9 =	vsel vm10, $0x17, v9;
	vm12 =	vgt.f32 v22, v3  }
0x97: {  	v24 =	vld [tilespmem:s14+$0x3100];
	vm13 =	vgt.f32 v22, v7;
	v3 =	vsel vm12, v22, v3;
	v10 =	vsel vm12, $0x18, v10  }
0x98: {  	vm5 =	vlt.f32 v34, $-Inf;
	v3 =	vsel vm13, v7, v3;
	v10 =	vsel vm13, v9, v10  }
0x99: {  	v7 =	vsel vm13, v22, v7;
	v9 =	vsel vm13, $0x18, v9;
	vm14 =	vgt.f32 v23, v3  }
0x9a: {  	v35 =	vld [tilespmem:s14+$0x4080];
	vm15 =	vgt.f32 v23, v7;
	v3 =	vsel vm14, v23, v3;
	v10 =	vsel vm14, $0x19, v10  }
0x9b: {  	v25 =	vld [tilespmem:s14+$0x3180];
	v3 =	vsel vm15, v7, v3;
	v26 =	vsel vm15, v9, v10;
	v7 =	vsel vm15, v23, v7  }
0x9c: {  	v9 =	vsel vm15, $0x19, v9;
	vm6 =	vgt.f32 v24, v3;
	vm7 =	vgt.f32 v24, v7  }
0x9d: {  	v3 =	vsel vm6, v24, v3;
	v10 =	vsel vm6, $0x1A, v26;
	vm6 =	vgt.f32 v34, $-Inf  }
0x9e: {  	v26 =	vimm.s32 $0x0;
	v3 =	vsel vm7, v7, v3;
	v28 =	vsel vm7, v9, v10  }
0x9f: {  	v27 =	vld [tilespmem:s14+$0x3200];
	v7 =	vsel vm7, v24, v7;
	v9 =	vsel vm7, $0x1A, v9;
	vm7 =	vlt.f32 v35, $-Inf  }
0xa0: {  	v24 =	vimm.s32 $0x0;
	vm8 =	vgt.f32 v25, v3;
	vm9 =	vgt.f32 v25, v7  }
0xa1: {  	v29 =	vsel vm8, v25, v3;
	v5 =	vsel vm8, $0x1B, v28;
	v3 =	vsel vm0, v4, v15  }
0xa2: {  	v12 =	vsel vm9, v25, v7;
	v4 =	vsel vm0, $0xF, v4;
	vm8 =	vgt.f32 v35, $-Inf  }
0xa3: {  	v30 =	vld [tilespmem:s14+$0x3280];
	v10 =	vsel vm9, v7, v29;
	v5 =	vsel vm9, v9, v5;
	v9 =	vsel vm9, $0x1B, v9  }
0xa4: {  	vm11 =	vgt.f32 v27, v12;
	v7 =	vsel vm0, v20, v8;
	vm0 =	vmor vm6, vm5  }
0xa5: {  	vm2 =	vmor vm8, vm7;
	vm10 =	vgt.f32 v27, v10;
	v33 =	vsel vm11, v27, v12  }
0xa6: {  	v17 =	vnsel vm0, $0xFF800000, v34;
	v38 =	vnsel vm2, $0xFF800000, v35;
	v41 =	vsel vm0, $0x20, v1  }
0xa7: {  	v31 =	vld [tilespmem:s14+$0x3300];
	v42 =	vsel vm2, $0x21, v1;
	v34 =	vimm.s32 $0x0;
	v10 =	vsel vm10, v27, v10  }
0xa8: {  	v5 =	vsel vm10, $0x1C, v5;
	vm13 =	vgt.f32 v30, v33;
	vm9 =	vgt.f32 v35, v17  }
0xa9: {  	v37 =	vld [tilespmem:s14+$0x4100];
	v27 =	vimm.s32 $0x0;
	v32 =	vsel vm11, v12, v10;
	v5 =	vsel vm11, v9, v5  }
0xaa: {  	v9 =	vsel vm11, $0x1C, v9;
	v10 =	vsel vm13, v30, v33;
	vm12 =	vgt.f32 v30, v32  }
0xab: {  	v12 =	vsel vm9, v35, v17;
	v36 =	vsel vm13, $0x1D, v9;
	v8 =	vsel vm12, v30, v32  }
0xac: {  	vm15 =	vgt.f32 v31, v10;
	v5 =	vsel vm12, $0x1D, v5;
	v8 =	vsel vm13, v33, v8  }
0xad: {  	v11 =	vsel vm15, v31, v10;
	v5 =	vsel vm13, v9, v5;
	v9 =	vld [tilespmem:s14+$0x3380];
	vm14 =	vgt.f32 v31, v8  }
0xae: {  	vm12 =	vgt.f32 v37, v12;
	v8 =	vsel vm14, v31, v8;
	v5 =	vsel vm14, $0x1E, v5  }
0xaf: {  	v33 =	vimm.s32 $0x0;
	v8 =	vsel vm15, v10, v8;
	v16 =	vsel vm15, v36, v5  }
0xb0: {  	v39 =	vld [tilespmem:s14+$0x4180];
	v5 =	vsel vm15, $0x1E, v36;
	v10 =	vsel vm9, v17, v38;
	v17 =	vsel vm9, v41, v42  }
0xb1: {  	v36 =	vimm.s32 $0x0;
	v38 =	vimm.s32 $0x0;
	vm11 =	vgt.f32 v37, v10  }
0xb2: {  	vm10 =	vgt.f32 v9, v11;
	v10 =	vsel vm11, v37, v10;
	vm13 =	vgt.f32 v9, v8  }
0xb3: {  	v43 =	vsel vm11, $0x22, v17;
	v13 =	vsel vm10, $0xFFFFFFFF, v40;
	v10 =	vsel vm12, v12, v10  }
0xb4: {  	v18 =	vld [tilespmem:s14+$0x4200];
	v12 =	vsel vm12, v37, v12;
	v19 =	vsel vm13, v9, v8;
	v8 =	vsel vm13, $0x1F, v16  }
0xb5: {  	v40 =	vimm.s32 $0x0;
	[tilespmem:$0x1FF60] =	vst v13;
	v13 =	vsel vm9, $0x21, v41;
	vm14 =	vgt.f32 v39, v10  }
0xb6: {  	vm15 =	vgt.f32 v39, v12;
	v41 =	vimm.s32 $0x0;
	v10 =	vsel vm14, v39, v10  }
0xb7: {  	v44 =	vld [tilespmem:s14+$0x4280];
	v45 =	vsel vm12, v13, v43;
	v13 =	vsel vm12, $0x22, v13;
	v43 =	vimm.s32 $0x0  }
0xb8: {  	v10 =	vsel vm15, v12, v10;
	v12 =	vsel vm15, v39, v12;
	v14 =	vsel vm14, $0x23, v45  }
0xb9: {  	v50 =	vld [tilespmem:s14+$0x6000];
	vm6 =	vgt.f32 v18, v10;
	vm7 =	vgt.f32 v18, v12;
	v14 =	vsel vm15, v13, v14  }
0xba: {  	v13 =	vsel vm15, $0x23, v13;
	v10 =	vsel vm6, v18, v10;
	v14 =	vsel vm6, $0x24, v14  }
0xbb: {  	v46 =	vld [tilespmem:s14+$0x4300];
	v10 =	vsel vm7, v12, v10;
	v12 =	vsel vm7, v18, v12;
	v14 =	vsel vm7, v13, v14  }
0xbc: {  	v13 =	vsel vm7, $0x24, v13;
	vm8 =	vgt.f32 v44, v10;
	vm9 =	vgt.f32 v44, v12  }
0xbd: {  	v51 =	vld [tilespmem:s14+$0x6080];
	v47 =	vsel vm8, v44, v10;
	v10 =	vsel vm10, v11, v19;
	v14 =	vsel vm8, $0x25, v14  }
0xbe: {  	vm8 =	vlt.f32 v50, $-Inf;
	v16 =	vsel vm9, v12, v47;
	v12 =	vsel vm9, v44, v12  }
0xbf: {  	v14 =	vsel vm9, v13, v14;
	v13 =	vsel vm9, $0x25, v13;
	vm9 =	vgt.f32 v50, $-Inf  }
0xc0: {  	v48 =	vld [tilespmem:s14+$0x4380];
	v44 =	vimm.s32 $0x0;
	v47 =	vimm.s32 $0x0;
	vm10 =	vgt.f32 v46, v16  }
0xc1: {  	vm11 =	vgt.f32 v46, v12;
	vm4 =	vmor vm9, vm8;
	v16 =	vsel vm10, v46, v16  }
0xc2: {  	v25 =	vld [tilespmem:$0x1FF60];
	v14 =	vsel vm10, $0x26, v14;
	vm10 =	vlt.f32 v51, $-Inf;
	v15 =	vnsel vm4, $0xFF800000, v50  }
0xc3: {  	v28 =	vsel vm4, $0x30, v1;
	v16 =	vsel vm11, v12, v16;
	v12 =	vsel vm11, v46, v12  }
0xc4: {  	v14 =	vsel vm11, v13, v14;
	v13 =	vsel vm11, $0x26, v13;
	vm11 =	vgt.f32 v51, $-Inf  }
0xc5: {  	v49 =	vld [tilespmem:s14+$0x5000];
	vm0 =	vgt.f32 v51, v15;
	vm12 =	vgt.f32 v48, v16;
	vm13 =	vgt.f32 v48, v12  }
0xc6: {  	v20 =	vld [tilespmem:s14+$0x6100];
	vm5 =	vmor vm11, vm10;
	v16 =	vsel vm12, v48, v16;
	v14 =	vsel vm12, $0x27, v14  }
0xc7: {  	v21 =	vnsel vm5, $0xFF800000, v51;
	v29 =	vsel vm5, $0x31, v1;
	vm5 =	vnez.u8 v25  }
0xc8: {  	v16 =	vsel vm13, v12, v16;
	v14 =	vsel vm13, v13, v14;
	v12 =	vsel vm13, v48, v12  }
0xc9: {  	v52 =	vld [tilespmem:s14+$0x5080];
	v13 =	vsel vm13, $0x27, v13;
	v53 =	vsel vm0, v15, v21;
	v15 =	vsel vm0, v51, v15  }
0xca: {  	v22 =	vld [tilespmem:s14+$0x6180];
	v9 =	vsel vm5, v9, v11;
	vm14 =	vgt.f32 v49, v16;
	vm15 =	vgt.f32 v49, v12  }
0xcb: {  	vm6 =	vgt.f32 v20, v53;
	v16 =	vsel vm14, v49, v16;
	v14 =	vsel vm14, $0x28, v14  }
0xcc: {  	v17 =	vsel vm15, v49, v12;
	vm14 =	vgt.f32 v20, v15;
	v55 =	vsel vm6, v20, v53  }
0xcd: {  	v16 =	vsel vm15, v12, v16;
	v14 =	vsel vm15, v13, v14;
	v12 =	vsel vm15, $0x28, v13  }
0xce: {  	v54 =	vld [tilespmem:s14+$0x5100];
	vm12 =	vgt.f32 v52, v17;
	v56 =	vsel vm14, v15, v55;
	v15 =	vsel vm14, v20, v15  }
0xcf: {  	v23 =	vld [tilespmem:s14+$0x6200];
	vm13 =	vgt.f32 v52, v16;
	v19 =	vsel vm12, $0xFFFFFFFF, v57;
	vm9 =	vgt.f32 v22, v56  }
0xd0: {  	vm15 =	vgt.f32 v22, v15;
	v16 =	vsel vm13, v52, v16;
	v13 =	vsel vm13, $0x29, v14  }
0xd1: {  	v14 =	vsel vm9, v22, v56;
	v56 =	vimm.s32 $0x0;
	v16 =	vsel vm12, v17, v16  }
0xd2: {  	v17 =	vsel vm12, v52, v17;
	v14 =	vsel vm15, v15, v14;
	v15 =	vsel vm15, v22, v15  }
0xd3: {  	v58 =	vld [tilespmem:s14+$0x5180];
	v22 =	vsel vm0, v28, v29;
	v52 =	vimm.s32 $0x0;
	vm8 =	vgt.f32 v54, v17  }
0xd4: {  	v59 =	vld [tilespmem:s14+$0x6280];
	vm11 =	vgt.f32 v54, v16;
	vm7 =	vgt.f32 v23, v14;
	vm3 =	vgt.f32 v23, v15  }
0xd5: {  	v31 =	vsel vm6, $0x32, v22;
	v20 =	vsel vm8, $0xFFFFFFFF, v60;
	v16 =	vsel vm11, v54, v16  }
0xd6: {  	v62 =	vsel vm8, v54, v17;
	v14 =	vsel vm7, v23, v14;
	v54 =	vimm.s32 $0x0  }
0xd7: {  	v60 =	vimm.s32 $0x0;
	[tilespmem:$0x1FEA0] =	vst v20;
	v20 =	vsel vm11, $0xFFFFFFFF, v61;
	v16 =	vsel vm8, v17, v16  }
0xd8: {  	vm10 =	vgt.f32 v58, v62;
	v14 =	vsel vm3, v15, v14;
	v15 =	vsel vm3, v23, v15  }
0xd9: {  	v17 =	vsel vm0, $0x31, v28;
	v61 =	vimm.s32 $0x0;
	vm8 =	vgt.f32 v59, v14  }
0xda: {  	vm4 =	vgt.f32 v59, v15;
	vm11 =	vgt.f32 v58, v16;
	v18 =	vsel vm14, v17, v31  }
0xdb: {  	v63 =	vld [tilespmem:s14+$0x6300];
	[tilespmem:$0x1FE60] =	vst v19;
	v17 =	vsel vm14, $0x32, v17;
	v19 =	vsel vm10, v58, v62;
	v14 =	vsel vm8, v59, v14  }
0xdc: {  	v37 =	vld [tilespmem:s14+$0x5200];
	v24 =	vsel vm11, $0xFFFFFFFF, v24;
	v16 =	vsel vm11, v58, v16;
	v18 =	vsel vm9, $0x33, v18  }
0xdd: {  	v58 =	vimm.s32 $0x0;
	v14 =	vsel vm4, v15, v14;
	v15 =	vsel vm4, v59, v15  }
0xde: {  	[tilespmem:$0x1FED0] =	vst v24;
	v24 =	vsel vm10, $0xFFFFFFFF, v36;
	v16 =	vsel vm10, v62, v16;
	v18 =	vsel vm15, v17, v18  }
0xdf: {  	v30 =	vld [tilespmem:s14+$0x6380];
	v17 =	vsel vm15, $0x33, v17;
	v59 =	vimm.s32 $0x0;
	v62 =	vimm.s32 $0x0  }
0xe0: {  	vm12 =	vgt.f32 v63, v14;
	vm0 =	vgt.f32 v63, v15;
	v18 =	vsel vm7, $0x34, v18  }
0xe1: {  	vm9 =	vgt.f32 v37, v16;
	v14 =	vsel vm12, v63, v14;
	v18 =	vsel vm3, v17, v18  }
0xe2: {  	v17 =	vsel vm3, $0x34, v17;
	v22 =	vsel vm9, $0xFFFFFFFF, v43;
	v16 =	vsel vm9, v37, v16  }
0xe3: {  	v14 =	vsel vm0, v15, v14;
	v15 =	vsel vm0, v63, v15;
	v18 =	vsel vm8, $0x35, v18  }
0xe4: {  	v32 =	vld [tilespmem:s14+$0x7000];
	v63 =	vimm.s32 $0x0;
	vm13 =	vgt.f32 v30, v14;
	vm14 =	vgt.f32 v30, v15  }
0xe5: {  	v18 =	vsel vm4, v17, v18;
	v17 =	vsel vm4, $0x35, v17;
	v21 =	vsel vm13, $0xFFFFFFFF, v33  }
0xe6: {  	v14 =	vsel vm13, v30, v14;
	v18 =	vsel vm12, $0x36, v18;
	vm13 =	vgt.f32 v37, v19  }
0xe7: {  	v35 =	vld [tilespmem:s14+$0x7080];
	[tilespmem:$0x1FE50] =	vst v21;
	v21 =	vsel vm14, $0xFFFFFFFF, v34;
	v14 =	vsel vm14, v15, v14;
	v15 =	vsel vm14, v30, v15  }
0xe8: {  	v46 =	vld [tilespmem:s14+$0x5280];
	v18 =	vsel vm0, v17, v18;
	v17 =	vsel vm0, $0x36, v17;
	v49 =	vsel vm13, v19, v16  }
0xe9: {  	v50 =	vsel vm13, v37, v19;
	vm0 =	vgt.f32 v9, v6;
	vm15 =	vgt.f32 v32, v14  }
0xea: {  	v39 =	vld [tilespmem:s14+$0x7100];
	vm6 =	vgt.f32 v32, v15;
	v6 =	vsel vm0, v9, v6;
	v14 =	vsel vm15, v32, v14  }
0xeb: {  	v23 =	vsel vm15, $0xFFFFFFFF, v38;
	v14 =	vsel vm6, v15, v14;
	v15 =	vsel vm6, v32, v15  }
0xec: {  	v42 =	vld [tilespmem:s14+$0x7180];
	[tilespmem:$0x1FE80] =	vst v20;
	v20 =	vsel vm6, $0xFFFFFFFF, v40;
	vm7 =	vgt.f32 v35, v14;
	vm11 =	vgt.f32 v35, v15  }
0xed: {  	v51 =	vld [tilespmem:s14+$0x5300];
	[tilespmem:$0x1FEB0] =	vst v20;
	v20 =	vsel vm7, $0xFFFFFFFF, v41;
	v14 =	vsel vm7, v35, v14;
	vm7 =	vgt.f32 v46, v49  }
0xee: {  	[tilespmem:$0x1FEF0] =	vst v24;
	v14 =	vsel vm11, v15, v14;
	v15 =	vsel vm11, v35, v15;
	v24 =	vsel vm7, $0xFFFFFFFF, v54  }
0xef: {  	v11 =	vsel vm7, v46, v49;
	vm7 =	vgt.f32 v46, v50;
	vm10 =	vgt.f32 v39, v14  }
0xf0: {  	v45 =	vld [tilespmem:s14+$0x7200];
	vm14 =	vgt.f32 v39, v15;
	v11 =	vsel vm7, v50, v11;
	v14 =	vsel vm10, v39, v14  }
0xf1: {  	[tilespmem:$0x1FE70] =	vst v21;
	v16 =	vsel vm7, v46, v50;
	v21 =	vsel vm10, $0xFFFFFFFF, v44;
	v14 =	vsel vm14, v15, v14  }
0xf2: {  	vm9 =	vgt.f32 v51, v11;
	v15 =	vsel vm14, v39, v15;
	vm4 =	vgt.f32 v42, v14  }
0xf3: {  	[tilespmem:$0x1FE90] =	vst v23;
	v11 =	vsel vm9, v51, v11;
	vm15 =	vgt.f32 v42, v15;
	v14 =	vsel vm4, v42, v14  }
0xf4: {  	v48 =	vld [tilespmem:s14+$0x7280];
	[tilespmem:$0x1FEE0] =	vst v21;
	v21 =	vimm.s32 $0x0;
	v23 =	vsel vm4, $0xFFFFFFFF, v47;
	v14 =	vsel vm15, v15, v14  }
0xf5: {  	v55 =	vld [tilespmem:s14+$0x5380];
	[tilespmem:$0x1FF10] =	vst v23;
	v15 =	vsel vm15, v42, v15;
	v23 =	vsel vm9, $0xFFFFFFFF, v58;
	vm6 =	vgt.f32 v45, v14  }
0xf6: {  	v58 =	vmov s13;
	vm12 =	vgt.f32 v45, v15;
	v14 =	vsel vm6, v45, v14  }
0xf7: {  	v53 =	vld [tilespmem:s14+$0x7300];
	[tilespmem:$0x1FEC0] =	vst v20;
	v20 =	vsel vm6, $0xFFFFFFFF, v52;
	vm6 =	vgt.f32 v51, v16;
	v14 =	vsel vm12, v15, v14  }
0xf8: {  	v15 =	vsel vm12, v45, v15;
	v11 =	vsel vm6, v16, v11;
	v16 =	vsel vm6, v51, v16  }
0xf9: {  	[tilespmem:$0x1FF30] =	vst v20;
	v20 =	vimm.s32 $0x0;
	vm8 =	vgt.f32 v48, v14;
	vm10 =	vgt.f32 v48, v15  }
0xfa: {  	v57 =	vld [tilespmem:s14+$0x7380];
	[tilespmem:$0x1FF20] =	vst v24;
	vm5 =	vgt.f32 v55, v11;
	v24 =	vsel vm8, $0xFFFFFFFF, v56;
	v14 =	vsel vm8, v48, v14  }
0xfb: {  	v19 =	vsel vm5, $0xFFFFFFFF, v60;
	v11 =	vsel vm5, v55, v11;
	v14 =	vsel vm10, v15, v14  }
0xfc: {  	vm5 =	vgt.f32 v55, v16;
	v15 =	vsel vm10, v48, v15;
	vm4 =	vgt.f32 v53, v14  }
0xfd: {  	v60 =	vshll.u32 v58, $0x6;
	vm9 =	vgt.f32 v53, v15;
	v14 =	vsel vm4, v53, v14  }
0xfe: {  	v11 =	vsel vm5, v16, v11;
	v16 =	vsel vm5, v55, v16;
	v14 =	vsel vm9, v15, v14  }
0xff: {  	[tilespmem:$0x1FF40] =	vst v23;
	v23 =	vsel vm4, $0xFFFFFFFF, v59;
	vm4 =	vgt.f32 v10, v7;
	vm8 =	vgt.f32 v57, v14  }
0x100: {  	[tilespmem:$0x1FF80] =	vst v19;
	v15 =	vsel vm9, v53, v15;
	v10 =	vsel vm4, v10, v7;
	v19 =	vsel vm8, $0xFFFFFFFF, v61  }
0x101: {  	v25 =	vld [tilespmem:$0x1FE50];
	v14 =	vsel vm8, v57, v14;
	vm8 =	vgt.f32 v57, v15;
	[tilespmem:$0x1FF90] =	vst v19;
	v19 =	vsel vm0, $0xFFFFFFFF, v62  }
0x102: {  	v14 =	vsel vm8, v15, v14;
	v15 =	vsel vm8, v57, v15;
	[tilespmem:$0x1FFA0] =	vst v19;
	v19 =	vsel vm4, $0xFFFFFFFF, v63  }
0x103: {  	[tilespmem:$0x1FF00] =	vst v22;
	v30 =	vld [tilespmem:$0x1FE70];
	vm4 =	vgt.f32 v9, v7;
	vm0 =	vgt.f32 v15, v11;
	vm1 =	vgt.f32 v14, v16  }
0x104: {  	[tilespmem:$0x1FF50] =	vst v24;
	vm3 =	vgt.f32 v15, v16;
	v7 =	vsel vm4, v9, v7;
	v9 =	vsel vm0, $0xFFFFFFFF, v20  }
0x105: {  	v28 =	vld [tilespmem:$0x1FE60];
	[tilespmem:$0x1FF70] =	vst v23;
	v22 =	vsel vm0, v15, v11;
	v23 =	vsel vm1, v14, v16;
	v6 =	vsel vm4, v10, v6  }
0x106: {  	v31 =	vld [tilespmem:$0x1FE80];
	v24 =	vsel vm3, v15, v16;
	vm0 =	vnez.u8 v25;
	[tilespmem:$0x1FFC0] =	vst v9;
	v9 =	vsel vm1, $0xFFFFFFFF, v21  }
0x107: {  	v34 =	vld [tilespmem:$0x1FEA0];
	v11 =	vsel vm0, $0x37, v18;
	vm1 =	vgt.f32 v24, v6;
	[tilespmem:$0x1FFD0] =	vst v9;
	v9 =	vsel vm3, v23, v22  }
0x108: {  	v33 =	vld [tilespmem:$0x1FE90];
	v14 =	vsel vm1, $0xFFFFFFFF, v26;
	v6 =	vsel vm1, v24, v6;
	vm1 =	vnez.u8 v30  }
0x109: {  	v35 =	vld [tilespmem:$0x1FEB0];
	vm2 =	vgt.f32 v24, v7;
	vm0 =	vgt.f32 v9, v7;
	v32 =	vsel vm1, $0x37, v17  }
0x10a: {  	v37 =	vld [tilespmem:$0x1FED0];
	[tilespmem:$0x1FFE0] =	vst v14;
	v14 =	vsel vm0, $0xFFFFFFFF, v27;
	v9 =	vsel vm0, v9, v7;
	vm0 =	vnez.u8 v28  }
0x10b: {  	v36 =	vld [tilespmem:$0x1FEC0];
	v7 =	vsel vm2, v24, v7;
	v6 =	vsel vm2, v9, v6;
	v9 =	vsel vm0, v12, v13  }
0x10c: {  	v41 =	vld [tilespmem:$0x1FEF0];
	v29 =	vsel vm0, $0x29, v12;
	vm0 =	vnez.u8 v31;
	v6 =	vsub.f32 v6, v7  }
0x10d: {  	v44 =	vld [tilespmem:$0x1FF20];
	v7 =	vsel vm1, v17, v11;
	v9 =	vsel vm0, $0x2A, v9;
	vm0 =	vnez.u8 v33  }
0x10e: {  	v40 =	vld [tilespmem:$0x1FEE0];
	vm1 =	vnez.u8 v35;
	v7 =	vsel vm0, $0x38, v7;
	vm0 =	vnez.u8 v34  }
0x10f: {  	v42 =	vld [tilespmem:$0x1FF00];
	v11 =	vsel vm1, $0x38, v32;
	v9 =	vsel vm0, v29, v9;
	v7 =	vsel vm1, v32, v7  }
0x110: {  	v48 =	vld [tilespmem:$0x1FF60];
	v6 =	vmul.f32 $1.442695020e+00, v6;
	v10 =	vsel vm0, $0x2A, v29;
	vm0 =	vnez.u8 v36  }
0x111: {  	v43 =	vld [tilespmem:$0x1FF10];
	v39 =	vsel vm11, $0x39, v11;
	v7 =	vsel vm0, $0x39, v7;
	vm0 =	vnez.u8 v37  }
0x112: {  	v46 =	vld [tilespmem:$0x1FF40];
	vm1 =	vnez.u8 v41;
	v9 =	vsel vm0, $0x2B, v9;
	(erf) = vpow2.f32 v6  }
0x113: {  	v45 =	vld [tilespmem:$0x1FF30];
	v38 =	vsel vm11, v11, v7;
	vm11 =	vnez.u8 v40;
	v7 =	vsel vm14, $0x3A, v39  }
0x114: {  	v47 =	vld [tilespmem:$0x1FF50];
	[tilespmem:$0x1FFB0] =	vst v19;
	v6 =	vsel vm11, $0x3A, v38;
	v9 =	vsel vm1, v10, v9;
	vm11 =	vnez.u8 v42  }
0x115: {  	v55 =	vld [tilespmem:$0x1FFB0];
	v10 =	vsel vm1, $0x2B, v10;
	vm1 =	vnez.u8 v48;
	v9 =	vsel vm11, $0x2C, v9  }
0x116: {  	v51 =	vld [tilespmem:$0x1FF80];
	v6 =	vsel vm14, v39, v6;
	vm14 =	vnez.u8 v43;
	vm11 =	vnez.u8 v44  }
0x117: {  	v56 =	vld [tilespmem:$0x1FFC0];
	v8 =	vsel vm1, v5, v8;
	v5 =	vsel vm1, $0x1F, v5;
	v6 =	vsel vm14, $0x3B, v6  }
0x118: {  	v57 =	vld [tilespmem:$0x1FFD0];
	v9 =	vsel vm13, v10, v9;
	v10 =	vsel vm13, $0x2C, v10;
	vm13 =	vnez.u8 v45  }
0x119: {  	v59 =	vld [tilespmem:$0x1FFE0];
	vm14 =	vnez.u8 v46;
	v9 =	vsel vm11, $0x2D, v9;
	v6 =	vsel vm15, v7, v6  }
0x11a: {  	v7 =	vsel vm15, $0x3B, v7;
	vm15 =	vnez.u8 v47;
	vm11 =	vnez.u8 v55  }
0x11b: {  	v49 =	vld [tilespmem:$0x1FF70];
	v6 =	vsel vm13, $0x3C, v6;
	v9 =	vsel vm7, v10, v9;
	v10 =	vsel vm7, $0x2D, v10  }
0x11c: {  	vm7 =	vnez.u8 v51;
	v8 =	vsel vm11, v8, v4;
	v4 =	vsel vm4, v5, v4  }
0x11d: {  	v54 =	vld [tilespmem:$0x1FFA0];
	vm13 =	vnez.u8 v57;
	v9 =	vsel vm14, $0x2E, v9;
	v6 =	vsel vm12, v7, v6  }
0x11e: {  	v53 =	vld [tilespmem:$0x1FF90];
	v7 =	vsel vm12, $0x3C, v7;
	vm12 =	vnez.u8 v56;
	vm14 =	vnez.u8 v59  }
0x11f: {  	v6 =	vsel vm15, $0x3D, v6;
	v9 =	vsel vm6, v10, v9;
	v10 =	vsel vm6, $0x2E, v10  }
0x120: {  	vm6 =	vnez.u8 v49;
	v6 =	vsel vm10, v7, v6;
	v7 =	vsel vm10, $0x3D, v7;
	v50 =	vpop (erf)  }
0x121: {  	[tilespmem:$0x1FFF0] =	vst v14;
	v9 =	vsel vm7, $0x2F, v9;
	v6 =	vsel vm6, $0x3E, v6;
	v52 =	vadd.f32 $1.000000000e+00, v50  }
0x122: {  	v61 =	vld [tilespmem:$0x1FFF0];
	vm10 =	vnez.u8 v54;
	v9 =	vsel vm5, v10, v9;
	v6 =	vsel vm9, v7, v6  }
0x123: {  	v7 =	vsel vm9, $0x3E, v7;
	vm9 =	vnez.u8 v53;
	(erf) = vrcp.f32 v52  }
0x124: {  	v10 =	vsel vm5, $0x2F, v10;
	v3 =	vsel vm10, v5, v3;
	v6 =	vsel vm9, $0x3F, v6  }
0x125: {  	v3 =	vsel vm4, v8, v3;
	v6 =	vsel vm8, v7, v6;
	v7 =	vsel vm8, $0x3F, v7  }
0x126: {  	v5 =	vsel vm12, v7, v9;
	v6 =	vsel vm13, v6, v10;
	v7 =	vsel vm3, v7, v10  }
0x127: {  	vm15 =	vnez.u8 v61;
	v5 =	vsel vm3, v6, v5;
	v3 =	vsel vm14, v7, v3  }
0x128: {  	v6 =	vor.u32 v2, v60;
	v5 =	vsel vm15, v5, v4;
	v4 =	vsel vm2, v7, v4  }
0x129: {  	v3 =	vsel vm2, v5, v3;
	v4 =	vadd.s32 v6, v4  }
0x12a: {  	p0 =	sne.s32 s13, $0x1F0;
	v3 =	vadd.s32 v6, v3  }
.Ltmp0:
0x12b: {  	_ = 	snop;
	(pc) =	sbr.rel @p0 .LBB2_2-.Ltmp0, $4  }
0x12c: {  	v62 =	vpop (erf)  }
0x12d: {  	v63 =	vmul.f32 v62, v50  }
0x12e: {  	[tilespmem:v4+s9+$0x0] =	vst.idx.msk $0xffff, v62  }
0x12f: {  	s12 =	sadd.s32 $0x80, s12;
	s11 =	sadd.s32 $0x400, s11;
	s13 =	sadd.s32 $0x10, s13;
	[tilespmem:v3+s9+$0x0] =	vst.idx.msk $0xffff, v63  }
0x130: {  	s10 =	sadd.s32 $0x1, s10  }
0x131: {  	p0 =	sne.s32 s10, s6  }
.Ltmp1:
0x132: {  	_ = 	snop;
	(pc) =	sbr.rel @p0 .LBB2_1-.Ltmp1, $4  }
0x133: {  	[hbm4b:s5+s2] =	stream.linear.scatter [tilespmem:s9], [sflag:$0x1], $0x8000, $0x38;
	[tilespmem:$0x10000] =	vst v63  }
0x134: {  	_ =	swait.ge [sflag:s3], $0x8000  }
0x135: {  	[sflag:s3] =	ssyncset.done $0x0  }
0x136: {  	[sflag:s3] =	ssyncadd.s32 $0xFFFF8000  }
0x137: {  	_ =	sfence.sel $0x180000  }
0x138: {  	[bflag:$0x0] =	sbarrier.arrive $0xFFFF  }
0x139: {  	p0 =	sne.s32 s0, $0x0;
	_ =	strace $0x90000047  }
0x13a: {  	s0 =	sadd.s32 @!p0 $0x100000, s1;
	[bflag:$0x2] =	sbarrier.arrive $0xFFFF  }
0x13b: {  	[sflag:s0] =	ssyncadd.tile.s32 @!p0 $0x1;
	_ =	shalt  }
.Lfunc_end2:
_tile_overlayer_lowered:
.L_overlay_start_2:
0x13c: {  	(tag) =	ssettag $0x2  }
0x13d: {  	s0 =	rddreg [dreg:$0x0];
	s2 =	stileid.u32  }
0x13e: {  	s1 =	rddreg [dreg:$0x1];
	p0 =	sne.s32 s2, $0x0  }
0x13f: {  	s3 =	rddreg [dreg:$0x2];
	[bflag:$0x3] =	sbarrier.arrive $0xFFFF;
	s2 =	simm.s32 @!p0 $0x1C01  }
0x140: {  	[timem:s3], [sflag:s2] =	dma.local @!p0 [hbm:s0], s1  }
0x141: {  	s0 =	simm.s32 @!p0 $0x1  }
0x142: {  	_ =	swait.ge @!p0 [sflag:s0], s1  }
0x143: {  	s1 =	ssub.s32 @!p0 $0x0, s1;
	[sflag:s0] =	ssyncset.done @!p0 $0x0  }
0x144: {  	[sflag:s0] =	ssyncadd.s32 @!p0 s1  }
0x145: {  	[bflag:$0x3] =	sbarrier.arrive $0xFFFF  }
0x146: {  	_ =	shalt  }

</sc_bundles>
